<compile_context>
chip_gen: v7x
topology: tpu7x:2x2x1
jax: 0.10.2.dev20260603
libtpu: 0.0.44.dev20260713+nightly
codegen_flags: <defaults>
</compile_context>

<pallas_src>
import jax
import jax.numpy as jnp
from jax import lax
from jax.experimental import pallas as pl
from jax.experimental.pallas import tpu as pltpu
from jax.experimental.pallas import tpu_sc as plsc

B, L, D = 4, 8192, 768
NW = 32
SEQ_PER_W = L // NW
R = 32
N_TILES = SEQ_PER_W // R
TILE = R * D
VECS = TILE // 16


def _body(x_hbm, tab_hbm, out_hbm, t_buf, x_buf):
    c = lax.axis_index("c")
    s = lax.axis_index("s")
    wid = s * 2 + c
    seq0 = wid * SEQ_PER_W

    def add_step(i, carry):
        sl = pl.ds(i * 16, 16)
        plsc.addupdate(x_buf.at[sl], t_buf[sl])
        return carry

    def tile_step(t, carry):
        row0 = seq0 + t * R
        pltpu.sync_copy(tab_hbm.at[pl.ds(row0 * D, TILE)], t_buf)
        for b in range(B):
            src0 = (b * L + row0) * D
            pltpu.sync_copy(x_hbm.at[pl.ds(src0, TILE)], x_buf)
            lax.fori_loop(0, VECS, add_step, None, unroll=8)
            pltpu.sync_copy(x_buf, out_hbm.at[pl.ds(src0, TILE)])
        return carry

    lax.fori_loop(0, N_TILES, tile_step, None)


@jax.jit
def kernel(X, table):
    k = pl.kernel(
        _body,
        out_type=jax.ShapeDtypeStruct((B * L * D,), jnp.float32),
        mesh=plsc.VectorSubcoreMesh(core_axis_name="c", subcore_axis_name="s"),
        scratch_types=[
            pltpu.VMEM((TILE,), jnp.float32),
            pltpu.VMEM((TILE,), jnp.float32),
        ],
    )
    out = k(X.reshape(-1), table.reshape(-1))
    return out.reshape(B, L, D)

# --- scband reference (transcript-rebuilt; emitter-appended) ---
"""Pipeline reference for scband-positional-encoding-58299886076298 (READ-ONLY COPY).

The authoritative reference and input builder live on the scoring server;
editing this copy changes nothing except your own understanding.
"""

import jax, jax.numpy as jnp
import numpy as np

CONTEXT_SIZE = 8192
D_MODEL = 768

def setup_inputs(seed: int = 0) -> dict:
    key = jax.random.key(seed)
    k1, k2 = jax.random.split(key)
    X = jax.random.normal(k1, (4, 8192, 768), dtype=jnp.float32)
    # learned positional embedding table, per init_kwargs (context_size, d_model)
    table = jax.random.normal(k2, (CONTEXT_SIZE, D_MODEL), dtype=jnp.float32) * 0.02
    return {"X": X, "table": table}

def reference(X, table):
    # Faithful translation of: X + self.encodings(X.shape[1])
    # The dnn.Embedding, when called with an int n, returns the embeddings for
    # positions 0..n-1, i.e. an embedding-table gather of arange(seq_len).
    L = X.shape[1]
    pos = jnp.take(table, jnp.arange(L), axis=0)  # [L, d_model] gather
    return X + pos[None, :, :]

if __name__ == "__main__":
    import jax
    _d = setup_inputs()
    print(jax.jit(kernel)(*tuple(_d.values())))

</pallas_src>

<mosaic_0001>
#map = affine_map<(d0, d1) -> (0)>
module attributes {stable_mosaic.version = 14 : i64} {
  func.func @_body(%arg0: i32, %arg1: i32, %arg2: memref<25165824xf32, #tpu.memory_space<hbm>>, %arg3: memref<6291456xf32, #tpu.memory_space<hbm>>, %arg4: memref<25165824xf32, #tpu.memory_space<hbm>>, %arg5: memref<24576xf32, #tpu.memory_space<vmem>>, %arg6: memref<24576xf32, #tpu.memory_space<vmem>>) attributes {dimension_semantics = [#tpu.dimension_semantics<core_parallel>, #tpu.dimension_semantics<subcore_parallel>], iteration_bounds = array<i64: 2, 16>, scalar_prefetch = 0 : i64, scratch_operands = 2 : i64, tpu.core_type = #tpu.core_type<sc_vector_subcore>, window_params = [{transform_indices = #map}, {transform_indices = #map}, {transform_indices = #map}]} {
    %mul3A = arith.constant 2 : i32
    %mul3A_0 = arith.muli %arg1, %mul3A : i32
    %add3A = arith.addi %mul3A_0, %arg0 : i32
    %mul3A_1 = arith.constant 256 : i32
    %mul3A_2 = arith.muli %add3A, %mul3A_1 : i32
    %scan3A = arith.constant 0 : i32
    %scan3A_3 = arith.constant 8 : i32
    %scan3A_4 = arith.addi %scan3A, %scan3A_3 : i32
    %scan3A_5 = arith.constant 1 : i32
    scf.for %scan3A_7 = %scan3A to %scan3A_4 step %scan3A_5  : i32 {
      %mul3A_8 = arith.constant 32 : i32
      %mul3A_9 = arith.muli %scan3A_7, %mul3A_8 : i32
      %add3A_10 = arith.addi %mul3A_2, %mul3A_9 : i32
      %mul3A_11 = arith.constant 768 : i32
      %mul3A_12 = arith.muli %add3A_10, %mul3A_11 : i32
      "tpu.region"() ({
        %run_scoped3A = tpu.sem_alloc : memref<!tpu.dma_semaphore, #tpu.memory_space<semaphore_mem>>
        %dma_start3A = tpu.memref_slice %arg3[%mul3A_12] : memref<6291456xf32, #tpu.memory_space<hbm>> -> memref<24576xf32, #tpu.memory_space<hbm>>
        %dma_start3A_49 = tpu.memref_slice %arg3[%mul3A_12] : memref<6291456xf32, #tpu.memory_space<hbm>> -> memref<24576xf32, #tpu.memory_space<hbm>>
        tpu.enqueue_dma source(%dma_start3A_49 : memref<24576xf32, #tpu.memory_space<hbm>>) target(%arg5 : memref<24576xf32, #tpu.memory_space<vmem>>) target_semaphore(%run_scoped3A : memref<!tpu.dma_semaphore, #tpu.memory_space<semaphore_mem>>)
        %dma_wait3A = tpu.memref_slice %arg3[%mul3A_12] : memref<6291456xf32, #tpu.memory_space<hbm>> -> memref<24576xf32, #tpu.memory_space<hbm>>
        %dma_wait3A_50 = tpu.memref_slice %arg3[%mul3A_12] : memref<6291456xf32, #tpu.memory_space<hbm>> -> memref<24576xf32, #tpu.memory_space<hbm>>
        tpu.wait_dma2 semaphore(%run_scoped3A : memref<!tpu.dma_semaphore, #tpu.memory_space<semaphore_mem>>) src(%dma_wait3A_50 : memref<24576xf32, #tpu.memory_space<hbm>>) dst(%arg5 : memref<24576xf32, #tpu.memory_space<vmem>>)
        tpu.yield
      }) : () -> ()
      %add3A_13 = arith.constant 0 : i32
      %add3A_14 = arith.addi %add3A_13, %add3A_10 : i32
      %mul3A_15 = arith.constant 768 : i32
      %mul3A_16 = arith.muli %add3A_14, %mul3A_15 : i32
      "tpu.region"() ({
        %run_scoped3A = tpu.sem_alloc : memref<!tpu.dma_semaphore, #tpu.memory_space<semaphore_mem>>
        %dma_start3A = tpu.memref_slice %arg2[%mul3A_16] : memref<25165824xf32, #tpu.memory_space<hbm>> -> memref<24576xf32, #tpu.memory_space<hbm>>
        %dma_start3A_49 = tpu.memref_slice %arg2[%mul3A_16] : memref<25165824xf32, #tpu.memory_space<hbm>> -> memref<24576xf32, #tpu.memory_space<hbm>>
        tpu.enqueue_dma source(%dma_start3A_49 : memref<24576xf32, #tpu.memory_space<hbm>>) target(%arg6 : memref<24576xf32, #tpu.memory_space<vmem>>) target_semaphore(%run_scoped3A : memref<!tpu.dma_semaphore, #tpu.memory_space<semaphore_mem>>)
        %dma_wait3A = tpu.memref_slice %arg2[%mul3A_16] : memref<25165824xf32, #tpu.memory_space<hbm>> -> memref<24576xf32, #tpu.memory_space<hbm>>
        %dma_wait3A_50 = tpu.memref_slice %arg2[%mul3A_16] : memref<25165824xf32, #tpu.memory_space<hbm>> -> memref<24576xf32, #tpu.memory_space<hbm>>
        tpu.wait_dma2 semaphore(%run_scoped3A : memref<!tpu.dma_semaphore, #tpu.memory_space<semaphore_mem>>) src(%dma_wait3A_50 : memref<24576xf32, #tpu.memory_space<hbm>>) dst(%arg6 : memref<24576xf32, #tpu.memory_space<vmem>>)
        tpu.yield
      }) : () -> ()
      %scan3A_17 = arith.constant 0 : i32
      %scan3A_18 = arith.constant 1536 : i32
      %scan3A_19 = arith.addi %scan3A_17, %scan3A_18 : i32
      %scan3A_20 = arith.constant 8 : i32
      scf.for %scan3A_49 = %scan3A_17 to %scan3A_19 step %scan3A_20  : i32 {
        %mul3A_50 = arith.constant 16 : i32
        %mul3A_51 = arith.muli %scan3A_49, %mul3A_50 : i32
        %get3A = arith.index_cast %mul3A_51 : i32 to index
        %get3A_52 = tpu.vector_load %arg5[%get3A] {strides = array<i32>} : memref<24576xf32, #tpu.memory_space<vmem>>, vector<16xf32>,
        %get3A_53 = vector.shape_cast %get3A_52 : vector<16xf32> to vector<16xf32>
        %swap3A = arith.index_cast %mul3A_51 : i32 to index
        %swap3A_54 = tpu.vector_load %arg6[%swap3A] {strides = array<i32>} : memref<24576xf32, #tpu.memory_space<vmem>>, vector<16xf32>,
        %swap3A_55 = vector.shape_cast %swap3A_54 : vector<16xf32> to vector<16xf32>
        %swap3A_56 = vector.shape_cast %get3A_53 : vector<16xf32> to vector<16xf32>
        tpu.vector_store %arg6[%swap3A], %swap3A_56 {add = true, strides = array<i32>} : memref<24576xf32, #tpu.memory_space<vmem>>, vector<16xf32>,
        %scan3A_57 = arith.constant 1 : i32
        %scan3A_58 = arith.addi %scan3A_49, %scan3A_57 : i32
        %mul3A_59 = arith.constant 16 : i32
        %mul3A_60 = arith.muli %scan3A_58, %mul3A_59 : i32
        %get3A_61 = arith.index_cast %mul3A_60 : i32 to index
        %get3A_62 = tpu.vector_load %arg5[%get3A_61] {strides = array<i32>} : memref<24576xf32, #tpu.memory_space<vmem>>, vector<16xf32>,
        %get3A_63 = vector.shape_cast %get3A_62 : vector<16xf32> to vector<16xf32>
        %swap3A_64 = arith.index_cast %mul3A_60 : i32 to index
        %swap3A_65 = tpu.vector_load %arg6[%swap3A_64] {strides = array<i32>} : memref<24576xf32, #tpu.memory_space<vmem>>, vector<16xf32>,
        %swap3A_66 = vector.shape_cast %swap3A_65 : vector<16xf32> to vector<16xf32>
        %swap3A_67 = vector.shape_cast %get3A_63 : vector<16xf32> to vector<16xf32>
        tpu.vector_store %arg6[%swap3A_64], %swap3A_67 {add = true, strides = array<i32>} : memref<24576xf32, #tpu.memory_space<vmem>>, vector<16xf32>,
        %scan3A_68 = arith.constant 2 : i32
        %scan3A_69 = arith.addi %scan3A_49, %scan3A_68 : i32
        %mul3A_70 = arith.constant 16 : i32
        %mul3A_71 = arith.muli %scan3A_69, %mul3A_70 : i32
        %get3A_72 = arith.index_cast %mul3A_71 : i32 to index
        %get3A_73 = tpu.vector_load %arg5[%get3A_72] {strides = array<i32>} : memref<24576xf32, #tpu.memory_space<vmem>>, vector<16xf32>,
        %get3A_74 = vector.shape_cast %get3A_73 : vector<16xf32> to vector<16xf32>
        %swap3A_75 = arith.index_cast %mul3A_71 : i32 to index
        %swap3A_76 = tpu.vector_load %arg6[%swap3A_75] {strides = array<i32>} : memref<24576xf32, #tpu.memory_space<vmem>>, vector<16xf32>,
        %swap3A_77 = vector.shape_cast %swap3A_76 : vector<16xf32> to vector<16xf32>
        %swap3A_78 = vector.shape_cast %get3A_74 : vector<16xf32> to vector<16xf32>
        tpu.vector_store %arg6[%swap3A_75], %swap3A_78 {add = true, strides = array<i32>} : memref<24576xf32, #tpu.memory_space<vmem>>, vector<16xf32>,
        %scan3A_79 = arith.constant 3 : i32
        %scan3A_80 = arith.addi %scan3A_49, %scan3A_79 : i32
        %mul3A_81 = arith.constant 16 : i32
        %mul3A_82 = arith.muli %scan3A_80, %mul3A_81 : i32
        %get3A_83 = arith.index_cast %mul3A_82 : i32 to index
        %get3A_84 = tpu.vector_load %arg5[%get3A_83] {strides = array<i32>} : memref<24576xf32, #tpu.memory_space<vmem>>, vector<16xf32>,
        %get3A_85 = vector.shape_cast %get3A_84 : vector<16xf32> to vector<16xf32>
        %swap3A_86 = arith.index_cast %mul3A_82 : i32 to index
        %swap3A_87 = tpu.vector_load %arg6[%swap3A_86] {strides = array<i32>} : memref<24576xf32, #tpu.memory_space<vmem>>, vector<16xf32>,
        %swap3A_88 = vector.shape_cast %swap3A_87 : vector<16xf32> to vector<16xf32>
        %swap3A_89 = vector.shape_cast %get3A_85 : vector<16xf32> to vector<16xf32>
        tpu.vector_store %arg6[%swap3A_86], %swap3A_89 {add = true, strides = array<i32>} : memref<24576xf32, #tpu.memory_space<vmem>>, vector<16xf32>,
        %scan3A_90 = arith.constant 4 : i32
        %scan3A_91 = arith.addi %scan3A_49, %scan3A_90 : i32
        %mul3A_92 = arith.constant 16 : i32
        %mul3A_93 = arith.muli %scan3A_91, %mul3A_92 : i32
        %get3A_94 = arith.index_cast %mul3A_93 : i32 to index
        %get3A_95 = tpu.vector_load %arg5[%get3A_94] {strides = array<i32>} : memref<24576xf32, #tpu.memory_space<vmem>>, vector<16xf32>,
        %get3A_96 = vector.shape_cast %get3A_95 : vector<16xf32> to vector<16xf32>
        %swap3A_97 = arith.index_cast %mul3A_93 : i32 to index
        %swap3A_98 = tpu.vector_load %arg6[%swap3A_97] {strides = array<i32>} : memref<24576xf32, #tpu.memory_space<vmem>>, vector<16xf32>,
        %swap3A_99 = vector.shape_cast %swap3A_98 : vector<16xf32> to vector<16xf32>
        %swap3A_100 = vector.shape_cast %get3A_96 : vector<16xf32> to vector<16xf32>
        tpu.vector_store %arg6[%swap3A_97], %swap3A_100 {add = true, strides = array<i32>} : memref<24576xf32, #tpu.memory_space<vmem>>, vector<16xf32>,
        %scan3A_101 = arith.constant 5 : i32
        %scan3A_102 = arith.addi %scan3A_49, %scan3A_101 : i32
        %mul3A_103 = arith.constant 16 : i32
        %mul3A_104 = arith.muli %scan3A_102, %mul3A_103 : i32
        %get3A_105 = arith.index_cast %mul3A_104 : i32 to index
        %get3A_106 = tpu.vector_load %arg5[%get3A_105] {strides = array<i32>} : memref<24576xf32, #tpu.memory_space<vmem>>, vector<16xf32>,
        %get3A_107 = vector.shape_cast %get3A_106 : vector<16xf32> to vector<16xf32>
        %swap3A_108 = arith.index_cast %mul3A_104 : i32 to index
        %swap3A_109 = tpu.vector_load %arg6[%swap3A_108] {strides = array<i32>} : memref<24576xf32, #tpu.memory_space<vmem>>, vector<16xf32>,
        %swap3A_110 = vector.shape_cast %swap3A_109 : vector<16xf32> to vector<16xf32>
        %swap3A_111 = vector.shape_cast %get3A_107 : vector<16xf32> to vector<16xf32>
        tpu.vector_store %arg6[%swap3A_108], %swap3A_111 {add = true, strides = array<i32>} : memref<24576xf32, #tpu.memory_space<vmem>>, vector<16xf32>,
        %scan3A_112 = arith.constant 6 : i32
        %scan3A_113 = arith.addi %scan3A_49, %scan3A_112 : i32
        %mul3A_114 = arith.constant 16 : i32
        %mul3A_115 = arith.muli %scan3A_113, %mul3A_114 : i32
        %get3A_116 = arith.index_cast %mul3A_115 : i32 to index
        %get3A_117 = tpu.vector_load %arg5[%get3A_116] {strides = array<i32>} : memref<24576xf32, #tpu.memory_space<vmem>>, vector<16xf32>,
        %get3A_118 = vector.shape_cast %get3A_117 : vector<16xf32> to vector<16xf32>
        %swap3A_119 = arith.index_cast %mul3A_115 : i32 to index
        %swap3A_120 = tpu.vector_load %arg6[%swap3A_119] {strides = array<i32>} : memref<24576xf32, #tpu.memory_space<vmem>>, vector<16xf32>,
        %swap3A_121 = vector.shape_cast %swap3A_120 : vector<16xf32> to vector<16xf32>
        %swap3A_122 = vector.shape_cast %get3A_118 : vector<16xf32> to vector<16xf32>
        tpu.vector_store %arg6[%swap3A_119], %swap3A_122 {add = true, strides = array<i32>} : memref<24576xf32, #tpu.memory_space<vmem>>, vector<16xf32>,
        %scan3A_123 = arith.constant 7 : i32
        %scan3A_124 = arith.addi %scan3A_49, %scan3A_123 : i32
        %mul3A_125 = arith.constant 16 : i32
        %mul3A_126 = arith.muli %scan3A_124, %mul3A_125 : i32
        %get3A_127 = arith.index_cast %mul3A_126 : i32 to index
        %get3A_128 = tpu.vector_load %arg5[%get3A_127] {strides = array<i32>} : memref<24576xf32, #tpu.memory_space<vmem>>, vector<16xf32>,
        %get3A_129 = vector.shape_cast %get3A_128 : vector<16xf32> to vector<16xf32>
        %swap3A_130 = arith.index_cast %mul3A_126 : i32 to index
        %swap3A_131 = tpu.vector_load %arg6[%swap3A_130] {strides = array<i32>} : memref<24576xf32, #tpu.memory_space<vmem>>, vector<16xf32>,
        %swap3A_132 = vector.shape_cast %swap3A_131 : vector<16xf32> to vector<16xf32>
        %swap3A_133 = vector.shape_cast %get3A_129 : vector<16xf32> to vector<16xf32>
        tpu.vector_store %arg6[%swap3A_130], %swap3A_133 {add = true, strides = array<i32>} : memref<24576xf32, #tpu.memory_space<vmem>>, vector<16xf32>,
      }
      %scan3A_21 = arith.constant 1536 : i32
      "tpu.region"() ({
        %run_scoped3A = tpu.sem_alloc : memref<!tpu.dma_semaphore, #tpu.memory_space<semaphore_mem>>
        %dma_start3A = tpu.memref_slice %arg4[%mul3A_16] : memref<25165824xf32, #tpu.memory_space<hbm>> -> memref<24576xf32, #tpu.memory_space<hbm>>
        %dma_start3A_49 = tpu.memref_slice %arg4[%mul3A_16] : memref<25165824xf32, #tpu.memory_space<hbm>> -> memref<24576xf32, #tpu.memory_space<hbm>>
        tpu.enqueue_dma source(%arg6 : memref<24576xf32, #tpu.memory_space<vmem>>) target(%dma_start3A_49 : memref<24576xf32, #tpu.memory_space<hbm>>) target_semaphore(%run_scoped3A : memref<!tpu.dma_semaphore, #tpu.memory_space<semaphore_mem>>)
        %dma_wait3A = tpu.memref_slice %arg4[%mul3A_16] : memref<25165824xf32, #tpu.memory_space<hbm>> -> memref<24576xf32, #tpu.memory_space<hbm>>
        %dma_wait3A_50 = tpu.memref_slice %arg4[%mul3A_16] : memref<25165824xf32, #tpu.memory_space<hbm>> -> memref<24576xf32, #tpu.memory_space<hbm>>
        tpu.wait_dma2 semaphore(%run_scoped3A : memref<!tpu.dma_semaphore, #tpu.memory_space<semaphore_mem>>) src(%arg6 : memref<24576xf32, #tpu.memory_space<vmem>>) dst(%dma_wait3A_50 : memref<24576xf32, #tpu.memory_space<hbm>>)
        tpu.yield
      }) : () -> ()
      %add3A_22 = arith.constant 8192 : i32
      %add3A_23 = arith.addi %add3A_22, %add3A_10 : i32
      %mul3A_24 = arith.constant 768 : i32
      %mul3A_25 = arith.muli %add3A_23, %mul3A_24 : i32
      "tpu.region"() ({
        %run_scoped3A = tpu.sem_alloc : memref<!tpu.dma_semaphore, #tpu.memory_space<semaphore_mem>>
        %dma_start3A = tpu.memref_slice %arg2[%mul3A_25] : memref<25165824xf32, #tpu.memory_space<hbm>> -> memref<24576xf32, #tpu.memory_space<hbm>>
        %dma_start3A_49 = tpu.memref_slice %arg2[%mul3A_25] : memref<25165824xf32, #tpu.memory_space<hbm>> -> memref<24576xf32, #tpu.memory_space<hbm>>
        tpu.enqueue_dma source(%dma_start3A_49 : memref<24576xf32, #tpu.memory_space<hbm>>) target(%arg6 : memref<24576xf32, #tpu.memory_space<vmem>>) target_semaphore(%run_scoped3A : memref<!tpu.dma_semaphore, #tpu.memory_space<semaphore_mem>>)
        %dma_wait3A = tpu.memref_slice %arg2[%mul3A_25] : memref<25165824xf32, #tpu.memory_space<hbm>> -> memref<24576xf32, #tpu.memory_space<hbm>>
        %dma_wait3A_50 = tpu.memref_slice %arg2[%mul3A_25] : memref<25165824xf32, #tpu.memory_space<hbm>> -> memref<24576xf32, #tpu.memory_space<hbm>>
        tpu.wait_dma2 semaphore(%run_scoped3A : memref<!tpu.dma_semaphore, #tpu.memory_space<semaphore_mem>>) src(%dma_wait3A_50 : memref<24576xf32, #tpu.memory_space<hbm>>) dst(%arg6 : memref<24576xf32, #tpu.memory_space<vmem>>)
        tpu.yield
      }) : () -> ()
      %scan3A_26 = arith.constant 0 : i32
      %scan3A_27 = arith.constant 1536 : i32
      %scan3A_28 = arith.addi %scan3A_26, %scan3A_27 : i32
      %scan3A_29 = arith.constant 8 : i32
      scf.for %scan3A_49 = %scan3A_26 to %scan3A_28 step %scan3A_29  : i32 {
        %mul3A_50 = arith.constant 16 : i32
        %mul3A_51 = arith.muli %scan3A_49, %mul3A_50 : i32
        %get3A = arith.index_cast %mul3A_51 : i32 to index
        %get3A_52 = tpu.vector_load %arg5[%get3A] {strides = array<i32>} : memref<24576xf32, #tpu.memory_space<vmem>>, vector<16xf32>,
        %get3A_53 = vector.shape_cast %get3A_52 : vector<16xf32> to vector<16xf32>
        %swap3A = arith.index_cast %mul3A_51 : i32 to index
        %swap3A_54 = tpu.vector_load %arg6[%swap3A] {strides = array<i32>} : memref<24576xf32, #tpu.memory_space<vmem>>, vector<16xf32>,
        %swap3A_55 = vector.shape_cast %swap3A_54 : vector<16xf32> to vector<16xf32>
        %swap3A_56 = vector.shape_cast %get3A_53 : vector<16xf32> to vector<16xf32>
        tpu.vector_store %arg6[%swap3A], %swap3A_56 {add = true, strides = array<i32>} : memref<24576xf32, #tpu.memory_space<vmem>>, vector<16xf32>,
        %scan3A_57 = arith.constant 1 : i32
        %scan3A_58 = arith.addi %scan3A_49, %scan3A_57 : i32
        %mul3A_59 = arith.constant 16 : i32
        %mul3A_60 = arith.muli %scan3A_58, %mul3A_59 : i32
        %get3A_61 = arith.index_cast %mul3A_60 : i32 to index
        %get3A_62 = tpu.vector_load %arg5[%get3A_61] {strides = array<i32>} : memref<24576xf32, #tpu.memory_space<vmem>>, vector<16xf32>,
        %get3A_63 = vector.shape_cast %get3A_62 : vector<16xf32> to vector<16xf32>
        %swap3A_64 = arith.index_cast %mul3A_60 : i32 to index
        %swap3A_65 = tpu.vector_load %arg6[%swap3A_64] {strides = array<i32>} : memref<24576xf32, #tpu.memory_space<vmem>>, vector<16xf32>,
        %swap3A_66 = vector.shape_cast %swap3A_65 : vector<16xf32> to vector<16xf32>
        %swap3A_67 = vector.shape_cast %get3A_63 : vector<16xf32> to vector<16xf32>
        tpu.vector_store %arg6[%swap3A_64], %swap3A_67 {add = true, strides = array<i32>} : memref<24576xf32, #tpu.memory_space<vmem>>, vector<16xf32>,
        %scan3A_68 = arith.constant 2 : i32
        %scan3A_69 = arith.addi %scan3A_49, %scan3A_68 : i32
        %mul3A_70 = arith.constant 16 : i32
        %mul3A_71 = arith.muli %scan3A_69, %mul3A_70 : i32
        %get3A_72 = arith.index_cast %mul3A_71 : i32 to index
        %get3A_73 = tpu.vector_load %arg5[%get3A_72] {strides = array<i32>} : memref<24576xf32, #tpu.memory_space<vmem>>, vector<16xf32>,
        %get3A_74 = vector.shape_cast %get3A_73 : vector<16xf32> to vector<16xf32>
        %swap3A_75 = arith.index_cast %mul3A_71 : i32 to index
        %swap3A_76 = tpu.vector_load %arg6[%swap3A_75] {strides = array<i32>} : memref<24576xf32, #tpu.memory_space<vmem>>, vector<16xf32>,
        %swap3A_77 = vector.shape_cast %swap3A_76 : vector<16xf32> to vector<16xf32>
        %swap3A_78 = vector.shape_cast %get3A_74 : vector<16xf32> to vector<16xf32>
        tpu.vector_store %arg6[%swap3A_75], %swap3A_78 {add = true, strides = array<i32>} : memref<24576xf32, #tpu.memory_space<vmem>>, vector<16xf32>,
        %scan3A_79 = arith.constant 3 : i32
        %scan3A_80 = arith.addi %scan3A_49, %scan3A_79 : i32
        %mul3A_81 = arith.constant 16 : i32
        %mul3A_82 = arith.muli %scan3A_80, %mul3A_81 : i32
        %get3A_83 = arith.index_cast %mul3A_82 : i32 to index
        %get3A_84 = tpu.vector_load %arg5[%get3A_83] {strides = array<i32>} : memref<24576xf32, #tpu.memory_space<vmem>>, vector<16xf32>,
        %get3A_85 = vector.shape_cast %get3A_84 : vector<16xf32> to vector<16xf32>
        %swap3A_86 = arith.index_cast %mul3A_82 : i32 to index
        %swap3A_87 = tpu.vector_load %arg6[%swap3A_86] {strides = array<i32>} : memref<24576xf32, #tpu.memory_space<vmem>>, vector<16xf32>,
        %swap3A_88 = vector.shape_cast %swap3A_87 : vector<16xf32> to vector<16xf32>
        %swap3A_89 = vector.shape_cast %get3A_85 : vector<16xf32> to vector<16xf32>
        tpu.vector_store %arg6[%swap3A_86], %swap3A_89 {add = true, strides = array<i32>} : memref<24576xf32, #tpu.memory_space<vmem>>, vector<16xf32>,
        %scan3A_90 = arith.constant 4 : i32
        %scan3A_91 = arith.addi %scan3A_49, %scan3A_90 : i32
        %mul3A_92 = arith.constant 16 : i32
        %mul3A_93 = arith.muli %scan3A_91, %mul3A_92 : i32
        %get3A_94 = arith.index_cast %mul3A_93 : i32 to index
        %get3A_95 = tpu.vector_load %arg5[%get3A_94] {strides = array<i32>} : memref<24576xf32, #tpu.memory_space<vmem>>, vector<16xf32>,
        %get3A_96 = vector.shape_cast %get3A_95 : vector<16xf32> to vector<16xf32>
        %swap3A_97 = arith.index_cast %mul3A_93 : i32 to index
        %swap3A_98 = tpu.vector_load %arg6[%swap3A_97] {strides = array<i32>} : memref<24576xf32, #tpu.memory_space<vmem>>, vector<16xf32>,
        %swap3A_99 = vector.shape_cast %swap3A_98 : vector<16xf32> to vector<16xf32>
        %swap3A_100 = vector.shape_cast %get3A_96 : vector<16xf32> to vector<16xf32>
        tpu.vector_store %arg6[%swap3A_97], %swap3A_100 {add = true, strides = array<i32>} : memref<24576xf32, #tpu.memory_space<vmem>>, vector<16xf32>,
        %scan3A_101 = arith.constant 5 : i32
        %scan3A_102 = arith.addi %scan3A_49, %scan3A_101 : i32
        %mul3A_103 = arith.constant 16 : i32
        %mul3A_104 = arith.muli %scan3A_102, %mul3A_103 : i32
        %get3A_105 = arith.index_cast %mul3A_104 : i32 to index
        %get3A_106 = tpu.vector_load %arg5[%get3A_105] {strides = array<i32>} : memref<24576xf32, #tpu.memory_space<vmem>>, vector<16xf32>,
        %get3A_107 = vector.shape_cast %get3A_106 : vector<16xf32> to vector<16xf32>
        %swap3A_108 = arith.index_cast %mul3A_104 : i32 to index
        %swap3A_109 = tpu.vector_load %arg6[%swap3A_108] {strides = array<i32>} : memref<24576xf32, #tpu.memory_space<vmem>>, vector<16xf32>,
        %swap3A_110 = vector.shape_cast %swap3A_109 : vector<16xf32> to vector<16xf32>
        %swap3A_111 = vector.shape_cast %get3A_107 : vector<16xf32> to vector<16xf32>
        tpu.vector_store %arg6[%swap3A_108], %swap3A_111 {add = true, strides = array<i32>} : memref<24576xf32, #tpu.memory_space<vmem>>, vector<16xf32>,
        %scan3A_112 = arith.constant 6 : i32
        %scan3A_113 = arith.addi %scan3A_49, %scan3A_112 : i32
        %mul3A_114 = arith.constant 16 : i32
        %mul3A_115 = arith.muli %scan3A_113, %mul3A_114 : i32
        %get3A_116 = arith.index_cast %mul3A_115 : i32 to index
        %get3A_117 = tpu.vector_load %arg5[%get3A_116] {strides = array<i32>} : memref<24576xf32, #tpu.memory_space<vmem>>, vector<16xf32>,
        %get3A_118 = vector.shape_cast %get3A_117 : vector<16xf32> to vector<16xf32>
        %swap3A_119 = arith.index_cast %mul3A_115 : i32 to index
        %swap3A_120 = tpu.vector_load %arg6[%swap3A_119] {strides = array<i32>} : memref<24576xf32, #tpu.memory_space<vmem>>, vector<16xf32>,
        %swap3A_121 = vector.shape_cast %swap3A_120 : vector<16xf32> to vector<16xf32>
        %swap3A_122 = vector.shape_cast %get3A_118 : vector<16xf32> to vector<16xf32>
        tpu.vector_store %arg6[%swap3A_119], %swap3A_122 {add = true, strides = array<i32>} : memref<24576xf32, #tpu.memory_space<vmem>>, vector<16xf32>,
        %scan3A_123 = arith.constant 7 : i32
        %scan3A_124 = arith.addi %scan3A_49, %scan3A_123 : i32
        %mul3A_125 = arith.constant 16 : i32
        %mul3A_126 = arith.muli %scan3A_124, %mul3A_125 : i32
        %get3A_127 = arith.index_cast %mul3A_126 : i32 to index
        %get3A_128 = tpu.vector_load %arg5[%get3A_127] {strides = array<i32>} : memref<24576xf32, #tpu.memory_space<vmem>>, vector<16xf32>,
        %get3A_129 = vector.shape_cast %get3A_128 : vector<16xf32> to vector<16xf32>
        %swap3A_130 = arith.index_cast %mul3A_126 : i32 to index
        %swap3A_131 = tpu.vector_load %arg6[%swap3A_130] {strides = array<i32>} : memref<24576xf32, #tpu.memory_space<vmem>>, vector<16xf32>,
        %swap3A_132 = vector.shape_cast %swap3A_131 : vector<16xf32> to vector<16xf32>
        %swap3A_133 = vector.shape_cast %get3A_129 : vector<16xf32> to vector<16xf32>
        tpu.vector_store %arg6[%swap3A_130], %swap3A_133 {add = true, strides = array<i32>} : memref<24576xf32, #tpu.memory_space<vmem>>, vector<16xf32>,
      }
      %scan3A_30 = arith.constant 1536 : i32
      "tpu.region"() ({
        %run_scoped3A = tpu.sem_alloc : memref<!tpu.dma_semaphore, #tpu.memory_space<semaphore_mem>>
        %dma_start3A = tpu.memref_slice %arg4[%mul3A_25] : memref<25165824xf32, #tpu.memory_space<hbm>> -> memref<24576xf32, #tpu.memory_space<hbm>>
        %dma_start3A_49 = tpu.memref_slice %arg4[%mul3A_25] : memref<25165824xf32, #tpu.memory_space<hbm>> -> memref<24576xf32, #tpu.memory_space<hbm>>
        tpu.enqueue_dma source(%arg6 : memref<24576xf32, #tpu.memory_space<vmem>>) target(%dma_start3A_49 : memref<24576xf32, #tpu.memory_space<hbm>>) target_semaphore(%run_scoped3A : memref<!tpu.dma_semaphore, #tpu.memory_space<semaphore_mem>>)
        %dma_wait3A = tpu.memref_slice %arg4[%mul3A_25] : memref<25165824xf32, #tpu.memory_space<hbm>> -> memref<24576xf32, #tpu.memory_space<hbm>>
        %dma_wait3A_50 = tpu.memref_slice %arg4[%mul3A_25] : memref<25165824xf32, #tpu.memory_space<hbm>> -> memref<24576xf32, #tpu.memory_space<hbm>>
        tpu.wait_dma2 semaphore(%run_scoped3A : memref<!tpu.dma_semaphore, #tpu.memory_space<semaphore_mem>>) src(%arg6 : memref<24576xf32, #tpu.memory_space<vmem>>) dst(%dma_wait3A_50 : memref<24576xf32, #tpu.memory_space<hbm>>)
        tpu.yield
      }) : () -> ()
      %add3A_31 = arith.constant 16384 : i32
      %add3A_32 = arith.addi %add3A_31, %add3A_10 : i32
      %mul3A_33 = arith.constant 768 : i32
      %mul3A_34 = arith.muli %add3A_32, %mul3A_33 : i32
      "tpu.region"() ({
        %run_scoped3A = tpu.sem_alloc : memref<!tpu.dma_semaphore, #tpu.memory_space<semaphore_mem>>
        %dma_start3A = tpu.memref_slice %arg2[%mul3A_34] : memref<25165824xf32, #tpu.memory_space<hbm>> -> memref<24576xf32, #tpu.memory_space<hbm>>
        %dma_start3A_49 = tpu.memref_slice %arg2[%mul3A_34] : memref<25165824xf32, #tpu.memory_space<hbm>> -> memref<24576xf32, #tpu.memory_space<hbm>>
        tpu.enqueue_dma source(%dma_start3A_49 : memref<24576xf32, #tpu.memory_space<hbm>>) target(%arg6 : memref<24576xf32, #tpu.memory_space<vmem>>) target_semaphore(%run_scoped3A : memref<!tpu.dma_semaphore, #tpu.memory_space<semaphore_mem>>)
        %dma_wait3A = tpu.memref_slice %arg2[%mul3A_34] : memref<25165824xf32, #tpu.memory_space<hbm>> -> memref<24576xf32, #tpu.memory_space<hbm>>
        %dma_wait3A_50 = tpu.memref_slice %arg2[%mul3A_34] : memref<25165824xf32, #tpu.memory_space<hbm>> -> memref<24576xf32, #tpu.memory_space<hbm>>
        tpu.wait_dma2 semaphore(%run_scoped3A : memref<!tpu.dma_semaphore, #tpu.memory_space<semaphore_mem>>) src(%dma_wait3A_50 : memref<24576xf32, #tpu.memory_space<hbm>>) dst(%arg6 : memref<24576xf32, #tpu.memory_space<vmem>>)
        tpu.yield
      }) : () -> ()
      %scan3A_35 = arith.constant 0 : i32
      %scan3A_36 = arith.constant 1536 : i32
      %scan3A_37 = arith.addi %scan3A_35, %scan3A_36 : i32
      %scan3A_38 = arith.constant 8 : i32
      scf.for %scan3A_49 = %scan3A_35 to %scan3A_37 step %scan3A_38  : i32 {
        %mul3A_50 = arith.constant 16 : i32
        %mul3A_51 = arith.muli %scan3A_49, %mul3A_50 : i32
        %get3A = arith.index_cast %mul3A_51 : i32 to index
        %get3A_52 = tpu.vector_load %arg5[%get3A] {strides = array<i32>} : memref<24576xf32, #tpu.memory_space<vmem>>, vector<16xf32>,
        %get3A_53 = vector.shape_cast %get3A_52 : vector<16xf32> to vector<16xf32>
        %swap3A = arith.index_cast %mul3A_51 : i32 to index
        %swap3A_54 = tpu.vector_load %arg6[%swap3A] {strides = array<i32>} : memref<24576xf32, #tpu.memory_space<vmem>>, vector<16xf32>,
        %swap3A_55 = vector.shape_cast %swap3A_54 : vector<16xf32> to vector<16xf32>
        %swap3A_56 = vector.shape_cast %get3A_53 : vector<16xf32> to vector<16xf32>
        tpu.vector_store %arg6[%swap3A], %swap3A_56 {add = true, strides = array<i32>} : memref<24576xf32, #tpu.memory_space<vmem>>, vector<16xf32>,
        %scan3A_57 = arith.constant 1 : i32
        %scan3A_58 = arith.addi %scan3A_49, %scan3A_57 : i32
        %mul3A_59 = arith.constant 16 : i32
        %mul3A_60 = arith.muli %scan3A_58, %mul3A_59 : i32
        %get3A_61 = arith.index_cast %mul3A_60 : i32 to index
        %get3A_62 = tpu.vector_load %arg5[%get3A_61] {strides = array<i32>} : memref<24576xf32, #tpu.memory_space<vmem>>, vector<16xf32>,
        %get3A_63 = vector.shape_cast %get3A_62 : vector<16xf32> to vector<16xf32>
        %swap3A_64 = arith.index_cast %mul3A_60 : i32 to index
        %swap3A_65 = tpu.vector_load %arg6[%swap3A_64] {strides = array<i32>} : memref<24576xf32, #tpu.memory_space<vmem>>, vector<16xf32>,
        %swap3A_66 = vector.shape_cast %swap3A_65 : vector<16xf32> to vector<16xf32>
        %swap3A_67 = vector.shape_cast %get3A_63 : vector<16xf32> to vector<16xf32>
        tpu.vector_store %arg6[%swap3A_64], %swap3A_67 {add = true, strides = array<i32>} : memref<24576xf32, #tpu.memory_space<vmem>>, vector<16xf32>,
        %scan3A_68 = arith.constant 2 : i32
        %scan3A_69 = arith.addi %scan3A_49, %scan3A_68 : i32
        %mul3A_70 = arith.constant 16 : i32
        %mul3A_71 = arith.muli %scan3A_69, %mul3A_70 : i32
        %get3A_72 = arith.index_cast %mul3A_71 : i32 to index
        %get3A_73 = tpu.vector_load %arg5[%get3A_72] {strides = array<i32>} : memref<24576xf32, #tpu.memory_space<vmem>>, vector<16xf32>,
        %get3A_74 = vector.shape_cast %get3A_73 : vector<16xf32> to vector<16xf32>
        %swap3A_75 = arith.index_cast %mul3A_71 : i32 to index
        %swap3A_76 = tpu.vector_load %arg6[%swap3A_75] {strides = array<i32>} : memref<24576xf32, #tpu.memory_space<vmem>>, vector<16xf32>,
        %swap3A_77 = vector.shape_cast %swap3A_76 : vector<16xf32> to vector<16xf32>
        %swap3A_78 = vector.shape_cast %get3A_74 : vector<16xf32> to vector<16xf32>
        tpu.vector_store %arg6[%swap3A_75], %swap3A_78 {add = true, strides = array<i32>} : memref<24576xf32, #tpu.memory_space<vmem>>, vector<16xf32>,
        %scan3A_79 = arith.constant 3 : i32
        %scan3A_80 = arith.addi %scan3A_49, %scan3A_79 : i32
        %mul3A_81 = arith.constant 16 : i32
        %mul3A_82 = arith.muli %scan3A_80, %mul3A_81 : i32
        %get3A_83 = arith.index_cast %mul3A_82 : i32 to index
        %get3A_84 = tpu.vector_load %arg5[%get3A_83] {strides = array<i32>} : memref<24576xf32, #tpu.memory_space<vmem>>, vector<16xf32>,
        %get3A_85 = vector.shape_cast %get3A_84 : vector<16xf32> to vector<16xf32>
        %swap3A_86 = arith.index_cast %mul3A_82 : i32 to index
        %swap3A_87 = tpu.vector_load %arg6[%swap3A_86] {strides = array<i32>} : memref<24576xf32, #tpu.memory_space<vmem>>, vector<16xf32>,
        %swap3A_88 = vector.shape_cast %swap3A_87 : vector<16xf32> to vector<16xf32>
        %swap3A_89 = vector.shape_cast %get3A_85 : vector<16xf32> to vector<16xf32>
        tpu.vector_store %arg6[%swap3A_86], %swap3A_89 {add = true, strides = array<i32>} : memref<24576xf32, #tpu.memory_space<vmem>>, vector<16xf32>,
        %scan3A_90 = arith.constant 4 : i32
        %scan3A_91 = arith.addi %scan3A_49, %scan3A_90 : i32
        %mul3A_92 = arith.constant 16 : i32
        %mul3A_93 = arith.muli %scan3A_91, %mul3A_92 : i32
        %get3A_94 = arith.index_cast %mul3A_93 : i32 to index
        %get3A_95 = tpu.vector_load %arg5[%get3A_94] {strides = array<i32>} : memref<24576xf32, #tpu.memory_space<vmem>>, vector<16xf32>,
        %get3A_96 = vector.shape_cast %get3A_95 : vector<16xf32> to vector<16xf32>
        %swap3A_97 = arith.index_cast %mul3A_93 : i32 to index
        %swap3A_98 = tpu.vector_load %arg6[%swap3A_97] {strides = array<i32>} : memref<24576xf32, #tpu.memory_space<vmem>>, vector<16xf32>,
        %swap3A_99 = vector.shape_cast %swap3A_98 : vector<16xf32> to vector<16xf32>
        %swap3A_100 = vector.shape_cast %get3A_96 : vector<16xf32> to vector<16xf32>
        tpu.vector_store %arg6[%swap3A_97], %swap3A_100 {add = true, strides = array<i32>} : memref<24576xf32, #tpu.memory_space<vmem>>, vector<16xf32>,
        %scan3A_101 = arith.constant 5 : i32
        %scan3A_102 = arith.addi %scan3A_49, %scan3A_101 : i32
        %mul3A_103 = arith.constant 16 : i32
        %mul3A_104 = arith.muli %scan3A_102, %mul3A_103 : i32
        %get3A_105 = arith.index_cast %mul3A_104 : i32 to index
        %get3A_106 = tpu.vector_load %arg5[%get3A_105] {strides = array<i32>} : memref<24576xf32, #tpu.memory_space<vmem>>, vector<16xf32>,
        %get3A_107 = vector.shape_cast %get3A_106 : vector<16xf32> to vector<16xf32>
        %swap3A_108 = arith.index_cast %mul3A_104 : i32 to index
        %swap3A_109 = tpu.vector_load %arg6[%swap3A_108] {strides = array<i32>} : memref<24576xf32, #tpu.memory_space<vmem>>, vector<16xf32>,
        %swap3A_110 = vector.shape_cast %swap3A_109 : vector<16xf32> to vector<16xf32>
        %swap3A_111 = vector.shape_cast %get3A_107 : vector<16xf32> to vector<16xf32>
        tpu.vector_store %arg6[%swap3A_108], %swap3A_111 {add = true, strides = array<i32>} : memref<24576xf32, #tpu.memory_space<vmem>>, vector<16xf32>,
        %scan3A_112 = arith.constant 6 : i32
        %scan3A_113 = arith.addi %scan3A_49, %scan3A_112 : i32
        %mul3A_114 = arith.constant 16 : i32
        %mul3A_115 = arith.muli %scan3A_113, %mul3A_114 : i32
        %get3A_116 = arith.index_cast %mul3A_115 : i32 to index
        %get3A_117 = tpu.vector_load %arg5[%get3A_116] {strides = array<i32>} : memref<24576xf32, #tpu.memory_space<vmem>>, vector<16xf32>,
        %get3A_118 = vector.shape_cast %get3A_117 : vector<16xf32> to vector<16xf32>
        %swap3A_119 = arith.index_cast %mul3A_115 : i32 to index
        %swap3A_120 = tpu.vector_load %arg6[%swap3A_119] {strides = array<i32>} : memref<24576xf32, #tpu.memory_space<vmem>>, vector<16xf32>,
        %swap3A_121 = vector.shape_cast %swap3A_120 : vector<16xf32> to vector<16xf32>
        %swap3A_122 = vector.shape_cast %get3A_118 : vector<16xf32> to vector<16xf32>
        tpu.vector_store %arg6[%swap3A_119], %swap3A_122 {add = true, strides = array<i32>} : memref<24576xf32, #tpu.memory_space<vmem>>, vector<16xf32>,
        %scan3A_123 = arith.constant 7 : i32
        %scan3A_124 = arith.addi %scan3A_49, %scan3A_123 : i32
        %mul3A_125 = arith.constant 16 : i32
        %mul3A_126 = arith.muli %scan3A_124, %mul3A_125 : i32
        %get3A_127 = arith.index_cast %mul3A_126 : i32 to index
        %get3A_128 = tpu.vector_load %arg5[%get3A_127] {strides = array<i32>} : memref<24576xf32, #tpu.memory_space<vmem>>, vector<16xf32>,
        %get3A_129 = vector.shape_cast %get3A_128 : vector<16xf32> to vector<16xf32>
        %swap3A_130 = arith.index_cast %mul3A_126 : i32 to index
        %swap3A_131 = tpu.vector_load %arg6[%swap3A_130] {strides = array<i32>} : memref<24576xf32, #tpu.memory_space<vmem>>, vector<16xf32>,
        %swap3A_132 = vector.shape_cast %swap3A_131 : vector<16xf32> to vector<16xf32>
        %swap3A_133 = vector.shape_cast %get3A_129 : vector<16xf32> to vector<16xf32>
        tpu.vector_store %arg6[%swap3A_130], %swap3A_133 {add = true, strides = array<i32>} : memref<24576xf32, #tpu.memory_space<vmem>>, vector<16xf32>,
      }
      %scan3A_39 = arith.constant 1536 : i32
      "tpu.region"() ({
        %run_scoped3A = tpu.sem_alloc : memref<!tpu.dma_semaphore, #tpu.memory_space<semaphore_mem>>
        %dma_start3A = tpu.memref_slice %arg4[%mul3A_34] : memref<25165824xf32, #tpu.memory_space<hbm>> -> memref<24576xf32, #tpu.memory_space<hbm>>
        %dma_start3A_49 = tpu.memref_slice %arg4[%mul3A_34] : memref<25165824xf32, #tpu.memory_space<hbm>> -> memref<24576xf32, #tpu.memory_space<hbm>>
        tpu.enqueue_dma source(%arg6 : memref<24576xf32, #tpu.memory_space<vmem>>) target(%dma_start3A_49 : memref<24576xf32, #tpu.memory_space<hbm>>) target_semaphore(%run_scoped3A : memref<!tpu.dma_semaphore, #tpu.memory_space<semaphore_mem>>)
        %dma_wait3A = tpu.memref_slice %arg4[%mul3A_34] : memref<25165824xf32, #tpu.memory_space<hbm>> -> memref<24576xf32, #tpu.memory_space<hbm>>
        %dma_wait3A_50 = tpu.memref_slice %arg4[%mul3A_34] : memref<25165824xf32, #tpu.memory_space<hbm>> -> memref<24576xf32, #tpu.memory_space<hbm>>
        tpu.wait_dma2 semaphore(%run_scoped3A : memref<!tpu.dma_semaphore, #tpu.memory_space<semaphore_mem>>) src(%arg6 : memref<24576xf32, #tpu.memory_space<vmem>>) dst(%dma_wait3A_50 : memref<24576xf32, #tpu.memory_space<hbm>>)
        tpu.yield
      }) : () -> ()
      %add3A_40 = arith.constant 24576 : i32
      %add3A_41 = arith.addi %add3A_40, %add3A_10 : i32
      %mul3A_42 = arith.constant 768 : i32
      %mul3A_43 = arith.muli %add3A_41, %mul3A_42 : i32
      "tpu.region"() ({
        %run_scoped3A = tpu.sem_alloc : memref<!tpu.dma_semaphore, #tpu.memory_space<semaphore_mem>>
        %dma_start3A = tpu.memref_slice %arg2[%mul3A_43] : memref<25165824xf32, #tpu.memory_space<hbm>> -> memref<24576xf32, #tpu.memory_space<hbm>>
        %dma_start3A_49 = tpu.memref_slice %arg2[%mul3A_43] : memref<25165824xf32, #tpu.memory_space<hbm>> -> memref<24576xf32, #tpu.memory_space<hbm>>
        tpu.enqueue_dma source(%dma_start3A_49 : memref<24576xf32, #tpu.memory_space<hbm>>) target(%arg6 : memref<24576xf32, #tpu.memory_space<vmem>>) target_semaphore(%run_scoped3A : memref<!tpu.dma_semaphore, #tpu.memory_space<semaphore_mem>>)
        %dma_wait3A = tpu.memref_slice %arg2[%mul3A_43] : memref<25165824xf32, #tpu.memory_space<hbm>> -> memref<24576xf32, #tpu.memory_space<hbm>>
        %dma_wait3A_50 = tpu.memref_slice %arg2[%mul3A_43] : memref<25165824xf32, #tpu.memory_space<hbm>> -> memref<24576xf32, #tpu.memory_space<hbm>>
        tpu.wait_dma2 semaphore(%run_scoped3A : memref<!tpu.dma_semaphore, #tpu.memory_space<semaphore_mem>>) src(%dma_wait3A_50 : memref<24576xf32, #tpu.memory_space<hbm>>) dst(%arg6 : memref<24576xf32, #tpu.memory_space<vmem>>)
        tpu.yield
      }) : () -> ()
      %scan3A_44 = arith.constant 0 : i32
      %scan3A_45 = arith.constant 1536 : i32
      %scan3A_46 = arith.addi %scan3A_44, %scan3A_45 : i32
      %scan3A_47 = arith.constant 8 : i32
      scf.for %scan3A_49 = %scan3A_44 to %scan3A_46 step %scan3A_47  : i32 {
        %mul3A_50 = arith.constant 16 : i32
        %mul3A_51 = arith.muli %scan3A_49, %mul3A_50 : i32
        %get3A = arith.index_cast %mul3A_51 : i32 to index
        %get3A_52 = tpu.vector_load %arg5[%get3A] {strides = array<i32>} : memref<24576xf32, #tpu.memory_space<vmem>>, vector<16xf32>,
        %get3A_53 = vector.shape_cast %get3A_52 : vector<16xf32> to vector<16xf32>
        %swap3A = arith.index_cast %mul3A_51 : i32 to index
        %swap3A_54 = tpu.vector_load %arg6[%swap3A] {strides = array<i32>} : memref<24576xf32, #tpu.memory_space<vmem>>, vector<16xf32>,
        %swap3A_55 = vector.shape_cast %swap3A_54 : vector<16xf32> to vector<16xf32>
        %swap3A_56 = vector.shape_cast %get3A_53 : vector<16xf32> to vector<16xf32>
        tpu.vector_store %arg6[%swap3A], %swap3A_56 {add = true, strides = array<i32>} : memref<24576xf32, #tpu.memory_space<vmem>>, vector<16xf32>,
        %scan3A_57 = arith.constant 1 : i32
        %scan3A_58 = arith.addi %scan3A_49, %scan3A_57 : i32
        %mul3A_59 = arith.constant 16 : i32
        %mul3A_60 = arith.muli %scan3A_58, %mul3A_59 : i32
        %get3A_61 = arith.index_cast %mul3A_60 : i32 to index
        %get3A_62 = tpu.vector_load %arg5[%get3A_61] {strides = array<i32>} : memref<24576xf32, #tpu.memory_space<vmem>>, vector<16xf32>,
        %get3A_63 = vector.shape_cast %get3A_62 : vector<16xf32> to vector<16xf32>
        %swap3A_64 = arith.index_cast %mul3A_60 : i32 to index
        %swap3A_65 = tpu.vector_load %arg6[%swap3A_64] {strides = array<i32>} : memref<24576xf32, #tpu.memory_space<vmem>>, vector<16xf32>,
        %swap3A_66 = vector.shape_cast %swap3A_65 : vector<16xf32> to vector<16xf32>
        %swap3A_67 = vector.shape_cast %get3A_63 : vector<16xf32> to vector<16xf32>
        tpu.vector_store %arg6[%swap3A_64], %swap3A_67 {add = true, strides = array<i32>} : memref<24576xf32, #tpu.memory_space<vmem>>, vector<16xf32>,
        %scan3A_68 = arith.constant 2 : i32
        %scan3A_69 = arith.addi %scan3A_49, %scan3A_68 : i32
        %mul3A_70 = arith.constant 16 : i32
        %mul3A_71 = arith.muli %scan3A_69, %mul3A_70 : i32
        %get3A_72 = arith.index_cast %mul3A_71 : i32 to index
        %get3A_73 = tpu.vector_load %arg5[%get3A_72] {strides = array<i32>} : memref<24576xf32, #tpu.memory_space<vmem>>, vector<16xf32>,
        %get3A_74 = vector.shape_cast %get3A_73 : vector<16xf32> to vector<16xf32>
        %swap3A_75 = arith.index_cast %mul3A_71 : i32 to index
        %swap3A_76 = tpu.vector_load %arg6[%swap3A_75] {strides = array<i32>} : memref<24576xf32, #tpu.memory_space<vmem>>, vector<16xf32>,
        %swap3A_77 = vector.shape_cast %swap3A_76 : vector<16xf32> to vector<16xf32>
        %swap3A_78 = vector.shape_cast %get3A_74 : vector<16xf32> to vector<16xf32>
        tpu.vector_store %arg6[%swap3A_75], %swap3A_78 {add = true, strides = array<i32>} : memref<24576xf32, #tpu.memory_space<vmem>>, vector<16xf32>,
        %scan3A_79 = arith.constant 3 : i32
        %scan3A_80 = arith.addi %scan3A_49, %scan3A_79 : i32
        %mul3A_81 = arith.constant 16 : i32
        %mul3A_82 = arith.muli %scan3A_80, %mul3A_81 : i32
        %get3A_83 = arith.index_cast %mul3A_82 : i32 to index
        %get3A_84 = tpu.vector_load %arg5[%get3A_83] {strides = array<i32>} : memref<24576xf32, #tpu.memory_space<vmem>>, vector<16xf32>,
        %get3A_85 = vector.shape_cast %get3A_84 : vector<16xf32> to vector<16xf32>
        %swap3A_86 = arith.index_cast %mul3A_82 : i32 to index
        %swap3A_87 = tpu.vector_load %arg6[%swap3A_86] {strides = array<i32>} : memref<24576xf32, #tpu.memory_space<vmem>>, vector<16xf32>,
        %swap3A_88 = vector.shape_cast %swap3A_87 : vector<16xf32> to vector<16xf32>
        %swap3A_89 = vector.shape_cast %get3A_85 : vector<16xf32> to vector<16xf32>
        tpu.vector_store %arg6[%swap3A_86], %swap3A_89 {add = true, strides = array<i32>} : memref<24576xf32, #tpu.memory_space<vmem>>, vector<16xf32>,
        %scan3A_90 = arith.constant 4 : i32
        %scan3A_91 = arith.addi %scan3A_49, %scan3A_90 : i32
        %mul3A_92 = arith.constant 16 : i32
        %mul3A_93 = arith.muli %scan3A_91, %mul3A_92 : i32
        %get3A_94 = arith.index_cast %mul3A_93 : i32 to index
        %get3A_95 = tpu.vector_load %arg5[%get3A_94] {strides = array<i32>} : memref<24576xf32, #tpu.memory_space<vmem>>, vector<16xf32>,
        %get3A_96 = vector.shape_cast %get3A_95 : vector<16xf32> to vector<16xf32>
        %swap3A_97 = arith.index_cast %mul3A_93 : i32 to index
        %swap3A_98 = tpu.vector_load %arg6[%swap3A_97] {strides = array<i32>} : memref<24576xf32, #tpu.memory_space<vmem>>, vector<16xf32>,
        %swap3A_99 = vector.shape_cast %swap3A_98 : vector<16xf32> to vector<16xf32>
        %swap3A_100 = vector.shape_cast %get3A_96 : vector<16xf32> to vector<16xf32>
        tpu.vector_store %arg6[%swap3A_97], %swap3A_100 {add = true, strides = array<i32>} : memref<24576xf32, #tpu.memory_space<vmem>>, vector<16xf32>,
        %scan3A_101 = arith.constant 5 : i32
        %scan3A_102 = arith.addi %scan3A_49, %scan3A_101 : i32
        %mul3A_103 = arith.constant 16 : i32
        %mul3A_104 = arith.muli %scan3A_102, %mul3A_103 : i32
        %get3A_105 = arith.index_cast %mul3A_104 : i32 to index
        %get3A_106 = tpu.vector_load %arg5[%get3A_105] {strides = array<i32>} : memref<24576xf32, #tpu.memory_space<vmem>>, vector<16xf32>,
        %get3A_107 = vector.shape_cast %get3A_106 : vector<16xf32> to vector<16xf32>
        %swap3A_108 = arith.index_cast %mul3A_104 : i32 to index
        %swap3A_109 = tpu.vector_load %arg6[%swap3A_108] {strides = array<i32>} : memref<24576xf32, #tpu.memory_space<vmem>>, vector<16xf32>,
        %swap3A_110 = vector.shape_cast %swap3A_109 : vector<16xf32> to vector<16xf32>
        %swap3A_111 = vector.shape_cast %get3A_107 : vector<16xf32> to vector<16xf32>
        tpu.vector_store %arg6[%swap3A_108], %swap3A_111 {add = true, strides = array<i32>} : memref<24576xf32, #tpu.memory_space<vmem>>, vector<16xf32>,
        %scan3A_112 = arith.constant 6 : i32
        %scan3A_113 = arith.addi %scan3A_49, %scan3A_112 : i32
        %mul3A_114 = arith.constant 16 : i32
        %mul3A_115 = arith.muli %scan3A_113, %mul3A_114 : i32
        %get3A_116 = arith.index_cast %mul3A_115 : i32 to index
        %get3A_117 = tpu.vector_load %arg5[%get3A_116] {strides = array<i32>} : memref<24576xf32, #tpu.memory_space<vmem>>, vector<16xf32>,
        %get3A_118 = vector.shape_cast %get3A_117 : vector<16xf32> to vector<16xf32>
        %swap3A_119 = arith.index_cast %mul3A_115 : i32 to index
        %swap3A_120 = tpu.vector_load %arg6[%swap3A_119] {strides = array<i32>} : memref<24576xf32, #tpu.memory_space<vmem>>, vector<16xf32>,
        %swap3A_121 = vector.shape_cast %swap3A_120 : vector<16xf32> to vector<16xf32>
        %swap3A_122 = vector.shape_cast %get3A_118 : vector<16xf32> to vector<16xf32>
        tpu.vector_store %arg6[%swap3A_119], %swap3A_122 {add = true, strides = array<i32>} : memref<24576xf32, #tpu.memory_space<vmem>>, vector<16xf32>,
        %scan3A_123 = arith.constant 7 : i32
        %scan3A_124 = arith.addi %scan3A_49, %scan3A_123 : i32
        %mul3A_125 = arith.constant 16 : i32
        %mul3A_126 = arith.muli %scan3A_124, %mul3A_125 : i32
        %get3A_127 = arith.index_cast %mul3A_126 : i32 to index
        %get3A_128 = tpu.vector_load %arg5[%get3A_127] {strides = array<i32>} : memref<24576xf32, #tpu.memory_space<vmem>>, vector<16xf32>,
        %get3A_129 = vector.shape_cast %get3A_128 : vector<16xf32> to vector<16xf32>
        %swap3A_130 = arith.index_cast %mul3A_126 : i32 to index
        %swap3A_131 = tpu.vector_load %arg6[%swap3A_130] {strides = array<i32>} : memref<24576xf32, #tpu.memory_space<vmem>>, vector<16xf32>,
        %swap3A_132 = vector.shape_cast %swap3A_131 : vector<16xf32> to vector<16xf32>
        %swap3A_133 = vector.shape_cast %get3A_129 : vector<16xf32> to vector<16xf32>
        tpu.vector_store %arg6[%swap3A_130], %swap3A_133 {add = true, strides = array<i32>} : memref<24576xf32, #tpu.memory_space<vmem>>, vector<16xf32>,
      }
      %scan3A_48 = arith.constant 1536 : i32
      "tpu.region"() ({
        %run_scoped3A = tpu.sem_alloc : memref<!tpu.dma_semaphore, #tpu.memory_space<semaphore_mem>>
        %dma_start3A = tpu.memref_slice %arg4[%mul3A_43] : memref<25165824xf32, #tpu.memory_space<hbm>> -> memref<24576xf32, #tpu.memory_space<hbm>>
        %dma_start3A_49 = tpu.memref_slice %arg4[%mul3A_43] : memref<25165824xf32, #tpu.memory_space<hbm>> -> memref<24576xf32, #tpu.memory_space<hbm>>
        tpu.enqueue_dma source(%arg6 : memref<24576xf32, #tpu.memory_space<vmem>>) target(%dma_start3A_49 : memref<24576xf32, #tpu.memory_space<hbm>>) target_semaphore(%run_scoped3A : memref<!tpu.dma_semaphore, #tpu.memory_space<semaphore_mem>>)
        %dma_wait3A = tpu.memref_slice %arg4[%mul3A_43] : memref<25165824xf32, #tpu.memory_space<hbm>> -> memref<24576xf32, #tpu.memory_space<hbm>>
        %dma_wait3A_50 = tpu.memref_slice %arg4[%mul3A_43] : memref<25165824xf32, #tpu.memory_space<hbm>> -> memref<24576xf32, #tpu.memory_space<hbm>>
        tpu.wait_dma2 semaphore(%run_scoped3A : memref<!tpu.dma_semaphore, #tpu.memory_space<semaphore_mem>>) src(%arg6 : memref<24576xf32, #tpu.memory_space<vmem>>) dst(%dma_wait3A_50 : memref<24576xf32, #tpu.memory_space<hbm>>)
        tpu.yield
      }) : () -> ()
    }
    %scan3A_6 = arith.constant 8 : i32
    return
  }
}

</mosaic_0001>

<sc_bundles>
// kernel: kernel.3.cloned.1.call-start
scs
__scs_entry_jumppad:
0x0: {  	(pc) =	sbr.rel $0x88, $3  }
0x1: {  	(tag) =	ssettag $0x0;
	lr =	simm.s32 $0x1  }
0x2: {  	[smem:$0x3F9F] =	sst lr;
	_ =	strace $0xD0000000  }
0x3: {  	_ = 	snop  }
0x4: {  	_ = 	snop  }
0x5: {  	_ = 	snop  }
0x6: {  	_ = 	snop  }
0x7: {  	_ = 	snop  }
__scs_overlays_trampoline_lowered:
0x8: {  	[smem:$0x3FAE] =	sst s0  }
0x9: {  	[smem:$0x3FAF] =	sst s1  }
0xa: {  	[smem:$0x3FB0] =	sst s2  }
0xb: {  	[smem:$0x3FB1] =	sst s3  }
0xc: {  	[smem:$0x3FB2] =	sst s4  }
0xd: {  	[smem:$0x3FB3] =	sst s5  }
0xe: {  	[smem:$0x3FB4] =	sst s6  }
0xf: {  	[smem:$0x3FB5] =	sst s7  }
0x10: {  	[smem:$0x3FB6] =	sst s8  }
0x11: {  	[smem:$0x3FB7] =	sst s9;
	s0 =	simm.s32 @!p0 $0x0  }
0x12: {  	s1 =	sld [smem:$0x3F9D];
	s0 =	simm.s32 @p0 $0x1  }
0x13: {  	[smem:$0x3FB8] =	sst s0;
	s0 =	simm.s32 @!p1 $0x0  }
0x14: {  	s2 =	sld [smem:$0x3F9C];
	s0 =	simm.s32 @p1 $0x1  }
0x15: {  	[smem:$0x3FB9] =	sst s0;
	s0 =	simm.s32 @!p2 $0x0  }
0x16: {  	s3 =	sld [smem:$0x3FDB];
	s0 =	simm.s32 @p2 $0x1  }
0x17: {  	s4 =	simm.s32 $0x1BF5;
	[smem:$0x3FBB] =	sst s0  }
0x18: {  	s0 =	sld [smem:$0x3F9E];
	_ =	swait.ge [sflag:s4], $0x0  }
0x19: {  	s7 =	sld [smem:$0x3F9F]  }
0x1a: {  	s8 =	sadd.s32 $0xFFFFE003, lr  }
0x1b: {  	s9 =	sadd.s32 $0xFFFFFEF7, lr;
	s5 =	simm.s32 $0xFFFFFFFF;
	p2 =	slt.u32 s8, $0xFFFFF086  }
0x1c: {  	p1 =	slt.u32 s9, $0xF7A;
	s5 =	simm.s32 @!p2 $0x0  }
0x1d: {  	s5 =	simm.s32 @p1 $0x1;
	p0 =	seq.s32 s7, s2  }
0x1e: {  	s7 =	smul.u32 @!p0 $0xF7A, s2;
	p2 =	seq.s32 @!p0 s5, $0x0  }
0x1f: {  	s9 =	smul.u32 $0xF7A, s1;
	s8 =	simm.s32 @!p0 $0x1BF5;
	p2 =	por !p2, p0  }
0x20: {  	[sflag:s8] =	ssyncset.s32 @!p0 $0xFFFFF086;
	s6 =	sadd.s32 @!p0 s3, s7;
	s7 =	simm.s32 @!p0 $0x108  }
0x21: {  	s3 =	sadd.s32 s3, s9;
	s6 =	sadd.s32 @!p0 $0x88, s6;
	s7 =	simm.s32 @p2 $0x1082  }
0x22: {  	[simem:s7], [sflag:s8] =	dma.local @!p0 [hbm:s6], $0xF7A  }
0x23: {  	s9 =	sor.u32 $0xD0000000, s2;
	s6 =	simm.s32 $0x108;
	_ =	swait.ge @!p0 [sflag:s8], $0x0  }
0x24: {  	s3 =	sadd.s32 $0x88, s3;
	s6 =	simm.s32 @!p1 $0x1082;
	[sflag:s4] =	ssyncset.s32 $0xFFFFF086  }
0x25: {  	[simem:s6], [sflag:s4] =	dma.local [hbm:s3], $0xF7A  }
0x26: {  	[smem:$0x3F9F] =	sst s1;
	(tag) =	ssettag s2;
	_ =	strace s9  }
0x27: {  	s1 =	sld [smem:$0x3FAF]  }
0x28: {  	s2 =	sld [smem:$0x3FB0]  }
0x29: {  	s4 =	sld [smem:$0x3FB2]  }
0x2a: {  	p0 =	seq.s32 s5, $0x0;
	s5 =	sld [smem:$0x3FB3]  }
0x2b: {  	s6 =	sld [smem:$0x3FB4]  }
0x2c: {  	s7 =	sld [smem:$0x3FB5]  }
0x2d: {  	s3 =	simm.s32 $0x108;
	s8 =	sld [smem:$0x3FB6]  }
0x2e: {  	s3 =	simm.s32 @!p0 $0x1082;
	s9 =	sld [smem:$0x3FB7]  }
0x2f: {  	lr =	sadd.s32 s0, s3;
	s0 =	sld [smem:$0x3FAE]  }
0x30: {  	s3 =	sld [smem:$0x3FB1]  }
0x31: {  	[smem:$0x3FBA] =	sst s10  }
0x32: {  	s10 =	sld [smem:$0x3FB8];
	_ =	sdelay $0x3  }
0x33: {  	p0 =	seq.s32 s10, $0x1;
	s10 =	sld [smem:$0x3FBA];
	_ =	sdelay $0x3  }
0x34: {  	[smem:$0x3FBA] =	sst s10  }
0x35: {  	s10 =	sld [smem:$0x3FB9];
	_ =	sdelay $0x3  }
0x36: {  	p1 =	seq.s32 s10, $0x1;
	s10 =	sld [smem:$0x3FBA];
	_ =	sdelay $0x3  }
0x37: {  	[smem:$0x3FBA] =	sst s10  }
0x38: {  	s10 =	sld [smem:$0x3FBB]  }
0x39: {  	_ = 	snop;
	(pc) =	sbr.ind lr, $3  }
0x3a: {  	_ = 	snop  }
0x3b: {  	_ = 	snop  }
0x3c: {  	p2 =	seq.s32 s10, $0x1;
	s10 =	sld [smem:$0x3FBA]  }
0x3d: {  	_ =	shalt  }
0x3e: {  	_ =	shalt  }
0x3f: {  	_ =	shalt  }
0x40: {  	_ =	shalt  }
0x41: {  	_ =	shalt  }
0x42: {  	_ =	shalt  }
0x43: {  	_ =	shalt  }
0x44: {  	_ =	shalt  }
0x45: {  	_ =	shalt  }
0x46: {  	_ =	shalt  }
0x47: {  	_ =	shalt  }
0x48: {  	_ =	shalt  }
0x49: {  	_ =	shalt  }
0x4a: {  	_ =	shalt  }
0x4b: {  	_ =	shalt  }
0x4c: {  	_ =	shalt  }
0x4d: {  	_ =	shalt  }
0x4e: {  	_ =	shalt  }
0x4f: {  	_ =	shalt  }
0x50: {  	_ =	shalt  }
0x51: {  	_ =	shalt  }
0x52: {  	_ =	shalt  }
0x53: {  	_ =	shalt  }
0x54: {  	_ =	shalt  }
0x55: {  	_ =	shalt  }
0x56: {  	_ =	shalt  }
0x57: {  	_ =	shalt  }
0x58: {  	_ =	shalt  }
0x59: {  	_ =	shalt  }
0x5a: {  	_ =	shalt  }
0x5b: {  	_ =	shalt  }
0x5c: {  	_ =	shalt  }
0x5d: {  	_ =	shalt  }
0x5e: {  	_ =	shalt  }
0x5f: {  	_ =	shalt  }
0x60: {  	_ =	shalt  }
0x61: {  	_ =	shalt  }
0x62: {  	_ =	shalt  }
0x63: {  	_ =	shalt  }
0x64: {  	_ =	shalt  }
0x65: {  	_ =	shalt  }
0x66: {  	_ =	shalt  }
0x67: {  	_ =	shalt  }
0x68: {  	_ =	shalt  }
0x69: {  	_ =	shalt  }
0x6a: {  	_ =	shalt  }
0x6b: {  	_ =	shalt  }
0x6c: {  	_ =	shalt  }
0x6d: {  	_ =	shalt  }
0x6e: {  	_ =	shalt  }
0x6f: {  	_ =	shalt  }
0x70: {  	_ =	shalt  }
0x71: {  	_ =	shalt  }
0x72: {  	_ =	shalt  }
0x73: {  	_ =	shalt  }
0x74: {  	_ =	shalt  }
0x75: {  	_ =	shalt  }
0x76: {  	_ =	shalt  }
0x77: {  	_ =	shalt  }
0x78: {  	_ =	shalt  }
0x79: {  	_ =	shalt  }
0x7a: {  	_ =	shalt  }
0x7b: {  	_ =	shalt  }
0x7c: {  	_ =	shalt  }
0x7d: {  	_ =	shalt  }
0x7e: {  	_ =	shalt  }
0x7f: {  	_ =	shalt  }
0x80: {  	_ =	shalt  }
0x81: {  	_ =	shalt  }
0x82: {  	_ =	shalt  }
0x83: {  	_ =	shalt  }
0x84: {  	_ =	shalt  }
0x85: {  	_ =	shalt  }
0x86: {  	_ =	shalt  }
0x87: {  	_ =	shalt  }
.Lfunc_end0:
.L_simem_size_0:
called_computation_lowered:
.L_overlay_start_0:
0x88: {  	s2 =	sld [smem:$0x3FD9]  }
0x89: {  	s3 =	sld [smem:$0x3FFE];
	_ =	sdelay $0x1  }
0x8a: {  	s1 =	srdreg.scid  }
0x8b: {  	s0 =	sand.u32 $0x1, s1  }
0x8c: {  	s17 =	sshll.u32 s0, $0xA;
	s2 =	sadd.s32 s3, s2  }
0x8d: {  	s2 =	sadd.s32 s2, s17  }
0x8e: {  	[smem:$0x3FC6] =	sst s2  }
0x8f: {  	_ = 	snop  }
0x90: {  	s2 =	sld [smem:$0x3FD0];
	(tm) =	ssettm $0x1  }
0x91: {  	s18 =	sld [smem:$0x3FFB];
	_ =	sdelay $0x3  }
0x92: {  	_ =	strace s18  }
0x93: {  	s3 =	sld [smem:$0x3FFC];
	_ =	sdelay $0x3  }
0x94: {  	_ =	strace s3  }
0x95: {  	s3 =	sld [smem:$0x3FFD];
	_ =	sdelay $0x3  }
0x96: {  	_ =	strace s3  }
0x97: {  	_ =	strace $0x8FFFFFFF  }
0x98: {  	s19 =	sld [smem:$0x3FDB];
	_ =	sdelay $0x1  }
0x99: {  	s4 =	simm.s32 $_scs_section_size  }
0x9a: {  	s5 =	simm.s32 $_size__tile_overlayer_lowered;
	s6 =	simm.s32 $_tile_overlayer_lowered  }
0x9b: {  	s22 =	simm.s32 $0x1BFF;
	s21 =	sshll.u32 s6, $0x1;
	s3 =	sadd.s32 s4, s19  }
0x9c: {  	s7 =	simm.s32 $0x0;
	s20 =	sshll.u32 s5, $0x1;
	s5 =	sadd.s32 s21, s3  }
0x9d: {  	[timem:s7], [sflag:s22] =	dma.local [hbm:s5], s20  }
0x9e: {  	_ =	swait.ge [sflag:s22], s20  }
0x9f: {  	s4 =	ssub.s32 $0x0, s20;
	[sflag:s22] =	ssyncset.done $0x0  }
0xa0: {  	[sflag:s22] =	ssyncadd.s32 s4;
	_ =	sdelay $0x1  }
0xa1: {  	s23 =	simm.s32 $0x1B8B  }
0xa2: {  	_ =	swait.ge [sflag:s23], $0x1  }
0xa3: {  	[sflag:s23] =	ssyncset.done $0x0  }
0xa4: {  	s25 =	simm.s32 $0x1B8E;
	s24 =	sld [smem:$0x3FFE];
	[sflag:s23] =	ssyncadd.s32 $0xFFFFFFFF  }
0xa5: {  	s26 =	simm.s32 $execute0_lowered;
	[smem:$0x3FD2] =	sst s25  }
0xa6: {  	s5 =	sshll.u32 s26, $0x1;
	_ =	strace $0x80000046;
	[dreg:$0x1] =	wrdreg $0xFFFFFFFF  }
0xa7: {  	s28 =	simm.s32 $_size_execute0_lowered;
	s3 =	sadd.s32 s3, s5;
	[dreg:$0x0] =	wrdreg $0x0  }
0xa8: {  	s5 =	sshll.u32 s28, $0x1;
	[dreg:$0x2] =	wrdreg s3  }
0xa9: {  	[dreg:$0x3] =	wrdreg s5  }
0xaa: {  	[dreg:$0x4] =	wrdreg $0xC0  }
0xab: {  	_ =	task [dreg:s7], $0x5FFFF  }
0xac: {  	[dreg:$0x1] =	wrdreg $0xFFFFFFFF  }
0xad: {  	[dreg:$0x0] =	wrdreg $0x60  }
0xae: {  	[dreg:$0x2] =	wrdreg s2  }
0xaf: {  	[dreg:$0x3] =	wrdreg s24  }
0xb0: {  	[dreg:$0x4] =	wrdreg $0x9  }
0xb1: {  	_ =	task.clear_ibuf [dreg:s7], $0x5FFFF;
	_ =	strace $0x90000046  }
0xb2: {  	s29 =	simm.s32 $0x9;
	_ =	strace $0x80000048  }
0xb3: {  	_ =	swait.ge [sflag:s29], $0x1  }
0xb4: {  	[sflag:s29] =	ssyncadd.s32 $0xFFFFFFFF  }
0xb5: {  	_ =	strace $0x90000048  }
0xb6: {  	_ =	sfence  }
0xb7: {  	s30 =	sld [smem:$0x0];
	_ =	sdelay $0x2  }
0xb8: {  	s31 =	sshll.u32 s1, $0xD;
	s1 =	sshrl.u32 s1, $0x2  }
0xb9: {  	s3 =	sand.u32 $0x4000, s31;
	s1 =	sadd.s32 s1, s30  }
0xba: {  	s0 =	sor.u32 s3, s0;
	s1 =	sshll.u32 s1, $0x11  }
0xbb: {  	s0 =	sor.u32 s1, s0  }
0xbc: {  	s0 =	sadd.s32 $0x8F2B, s0  }
0xbd: {  	[sflag:s0] =	ssyncadd.remote.s32 $0x1  }
0xbe: {  	_ =	sfence.sel $0xFFFF  }
0xbf: {  	[dreg:$0x0] =	wrdreg $0xFFFFFFFF;
	(pc) =	sbr.abs _section_cstart, $3  }
0xc0: {  	[dreg:$0x1] =	wrdreg $0xFFFFFFFF  }
0xc1: {  	_ =	task.clear_ibuf [dreg:s7], $0x2FFFF;
	_ =	strace $0x9FFFFFFF  }
0xc2: {  	(tm) =	ssettm $0x7FFFFFFF  }
0xc3: {  	_ =	shalt  }
tec
execute0_lowered:
.L_overlay_start_1:
0x0: {  	(tag) =	ssettag $0x1  }
0x1: {  	s1 =	rddreg [dreg:$0x0]  }
0x2: {  	s5 =	rddreg [dreg:$0x1]  }
0x3: {  	s0 =	rddreg [dreg:$0x2]  }
0x4: {  	s2 =	simm.s32 $0x0;
	s3 =	srdreg.scid;
	s9 =	simm.s32 $0x6000  }
0x5: {  	s10 =	simm.s32 $0x0;
	[smem:$0x7FF] =	sst s2;
	s6 =	sand.u32 $0x1, s3  }
0x6: {  	s4 =	sadd.s32 $0x400, s5;
	s3 =	stileid.u32;
	s7 =	ssub.s32 $0x2, s6  }
0x7: {  	s5 =	sadd.s32 $0xC0400, s5;
	_ =	strace $0x80000047;
	s8 =	sshrl.u32 s7, $0x1  }
0x8: {  	s31 =	sshll.u32 s3, $0x9;
	s6 =	sshll.u32 s6, $0x8;
	s7 =	ssub.s32 s7, s8  }
0x9: {  	s6 =	sor.u32 s6, s31;
	s8 =	simm.s32 $0x1;
	s7 =	smax.u32 s7, $0x1  }
.LBB2_1:
0xa: {  	s11 =	simm.s32 $0x0  }
.LBB2_2:
0xb: {  	s12 =	sshll.u32 s11, $0x5  }
0xc: {  	s12 =	sadd.s32 s6, s12  }
0xd: {  	s13 =	smul.u32 $0x60, s12;
	_ =	sdelay $0x1  }
0xe: {  	s15 =	simm.s32 $0x0;
	s14 =	sadd.s32 s4, s13  }
0xf: {  	[tilespmem:s15], [sflag:$0x1] =	stream.linear.gather [hbm4b:s14+s15], $0x6000, $0x38;
	[tilespmem:$0xC000] =	vst v63  }
0x10: {  	_ =	swait.ge [sflag:s8], $0x6000  }
0x11: {  	[sflag:s8] =	ssyncset.done $0x0  }
0x12: {  	s31 =	sadd.s32 s1, s13;
	[sflag:s8] =	ssyncadd.s32 $0xFFFFA000  }
0x13: {  	[tilespmem:s9], [sflag:$0x1] =	stream.linear.gather [hbm4b:s31+s15], $0x6000, $0x38;
	[tilespmem:$0xC000] =	vst v63  }
0x14: {  	_ =	swait.ge [sflag:s8], $0x6000  }
0x15: {  	[sflag:s8] =	ssyncset.done $0x0  }
0x16: {  	s14 =	simm.s32 $0x0;
	[sflag:s8] =	ssyncadd.s32 $0xFFFFA000  }
0x17: {  	v0 =	vld [tilespmem:s14+$0x70]  }
0x18: {  	v1 =	vld [tilespmem:s14+$0x0]  }
0x19: {  	v2 =	vld [tilespmem:s14+$0x10]  }
0x1a: {  	v3 =	vld [tilespmem:s14+$0x20]  }
0x1b: {  	v4 =	vld [tilespmem:s14+$0x30]  }
0x1c: {  	v5 =	vld [tilespmem:s14+$0x40]  }
0x1d: {  	v6 =	vld [tilespmem:s14+$0x50]  }
0x1e: {  	[tilespmem:s14+$0x6070] =	vst.add.f32.msk $0xffff, v0  }
0x1f: {  	v0 =	vld [tilespmem:s14+$0x60]  }
0x20: {  	[tilespmem:s14+$0x6000] =	vst.add.f32.msk $0xffff, v1  }
0x21: {  	[tilespmem:s14+$0x6010] =	vst.add.f32.msk $0xffff, v2  }
0x22: {  	[tilespmem:s14+$0x6020] =	vst.add.f32.msk $0xffff, v3  }
0x23: {  	[tilespmem:s14+$0x6030] =	vst.add.f32.msk $0xffff, v4  }
0x24: {  	[tilespmem:s14+$0x6040] =	vst.add.f32.msk $0xffff, v5  }
0x25: {  	s16 =	simm.s32 $0x200;
	s15 =	simm.s32 $0x0;
	[tilespmem:s14+$0x6050] =	vst.add.f32.msk $0xffff, v6  }
.LBB2_3:
0x26: {  	s15 =	sadd.s32 $0x8, s15;
	[tilespmem:s14+$0x6060] =	vst.add.f32.msk $0xffff, v0;
	s14 =	sshra.s32 s16, $0x2  }
0x27: {  	v0 =	vld [tilespmem:s14+$0x70];
	p0 =	slt.u32 s15, $0x5F8  }
0x28: {  	v1 =	vld [tilespmem:s14+$0x0]  }
0x29: {  	v2 =	vld [tilespmem:s14+$0x10]  }
0x2a: {  	v3 =	vld [tilespmem:s14+$0x20]  }
0x2b: {  	v4 =	vld [tilespmem:s14+$0x30]  }
0x2c: {  	[tilespmem:s14+$0x6070] =	vst.add.f32.msk $0xffff, v0  }
0x2d: {  	v5 =	vld [tilespmem:s14+$0x40]  }
0x2e: {  	v6 =	vld [tilespmem:s14+$0x50]  }
0x2f: {  	v0 =	vld [tilespmem:s14+$0x60]  }
0x30: {  	[tilespmem:s14+$0x6000] =	vst.add.f32.msk $0xffff, v1  }
.Ltmp0:
0x31: {  	[tilespmem:s14+$0x6010] =	vst.add.f32.msk $0xffff, v2;
	(pc) =	sbr.rel @p0 .LBB2_3-.Ltmp0, $4  }
0x32: {  	[tilespmem:s14+$0x6020] =	vst.add.f32.msk $0xffff, v3  }
0x33: {  	[tilespmem:s14+$0x6030] =	vst.add.f32.msk $0xffff, v4  }
0x34: {  	[tilespmem:s14+$0x6040] =	vst.add.f32.msk $0xffff, v5  }
0x35: {  	s16 =	sadd.s32 $0x200, s16;
	[tilespmem:s14+$0x6050] =	vst.add.f32.msk $0xffff, v6  }
0x36: {  	[tilespmem:s14+$0x6060] =	vst.add.f32.msk $0xffff, v0;
	s13 =	sadd.s32 s5, s13;
	s31 =	simm.s32 $0x0;
	s12 =	smul.u32 $0x300, s12  }
0x37: {  	[hbm4b:s13+s31] =	stream.linear.scatter [tilespmem:s9], [sflag:$0x1], $0x6000, $0x38;
	[tilespmem:$0xC000] =	vst v63  }
0x38: {  	_ =	swait.ge [sflag:s8], $0x6000;
	s12 =	sshrl.u32 s12, $0x3  }
0x39: {  	[sflag:s8] =	ssyncset.done $0x0;
	s13 =	sadd.s32 $0xC0000, s12  }
0x3a: {  	[sflag:s8] =	ssyncadd.s32 $0xFFFFA000;
	s15 =	sadd.s32 s1, s13  }
0x3b: {  	[tilespmem:s9], [sflag:$0x1] =	stream.linear.gather [hbm4b:s15+s31], $0x6000, $0x38;
	[tilespmem:$0xC000] =	vst v63  }
0x3c: {  	_ =	swait.ge [sflag:s8], $0x6000  }
0x3d: {  	[sflag:s8] =	ssyncset.done $0x0  }
0x3e: {  	s14 =	simm.s32 $0x0;
	[sflag:s8] =	ssyncadd.s32 $0xFFFFA000  }
0x3f: {  	v0 =	vld [tilespmem:s14+$0x70]  }
0x40: {  	v1 =	vld [tilespmem:s14+$0x0]  }
0x41: {  	v2 =	vld [tilespmem:s14+$0x10]  }
0x42: {  	v3 =	vld [tilespmem:s14+$0x20]  }
0x43: {  	v4 =	vld [tilespmem:s14+$0x30]  }
0x44: {  	v5 =	vld [tilespmem:s14+$0x40]  }
0x45: {  	v6 =	vld [tilespmem:s14+$0x50]  }
0x46: {  	[tilespmem:s14+$0x6070] =	vst.add.f32.msk $0xffff, v0  }
0x47: {  	v0 =	vld [tilespmem:s14+$0x60]  }
0x48: {  	[tilespmem:s14+$0x6000] =	vst.add.f32.msk $0xffff, v1  }
0x49: {  	[tilespmem:s14+$0x6010] =	vst.add.f32.msk $0xffff, v2  }
0x4a: {  	[tilespmem:s14+$0x6020] =	vst.add.f32.msk $0xffff, v3  }
0x4b: {  	[tilespmem:s14+$0x6030] =	vst.add.f32.msk $0xffff, v4  }
0x4c: {  	[tilespmem:s14+$0x6040] =	vst.add.f32.msk $0xffff, v5  }
0x4d: {  	s16 =	simm.s32 $0x200;
	s15 =	simm.s32 $0x0;
	[tilespmem:s14+$0x6050] =	vst.add.f32.msk $0xffff, v6  }
.LBB2_5:
0x4e: {  	s15 =	sadd.s32 $0x8, s15;
	[tilespmem:s14+$0x6060] =	vst.add.f32.msk $0xffff, v0;
	s14 =	sshra.s32 s16, $0x2  }
0x4f: {  	v0 =	vld [tilespmem:s14+$0x70];
	p0 =	slt.u32 s15, $0x5F8  }
0x50: {  	v1 =	vld [tilespmem:s14+$0x0]  }
0x51: {  	v2 =	vld [tilespmem:s14+$0x10]  }
0x52: {  	v3 =	vld [tilespmem:s14+$0x20]  }
0x53: {  	v4 =	vld [tilespmem:s14+$0x30]  }
0x54: {  	[tilespmem:s14+$0x6070] =	vst.add.f32.msk $0xffff, v0  }
0x55: {  	v5 =	vld [tilespmem:s14+$0x40]  }
0x56: {  	v6 =	vld [tilespmem:s14+$0x50]  }
0x57: {  	v0 =	vld [tilespmem:s14+$0x60]  }
0x58: {  	[tilespmem:s14+$0x6000] =	vst.add.f32.msk $0xffff, v1  }
.Ltmp1:
0x59: {  	[tilespmem:s14+$0x6010] =	vst.add.f32.msk $0xffff, v2;
	(pc) =	sbr.rel @p0 .LBB2_5-.Ltmp1, $4  }
0x5a: {  	[tilespmem:s14+$0x6020] =	vst.add.f32.msk $0xffff, v3  }
0x5b: {  	[tilespmem:s14+$0x6030] =	vst.add.f32.msk $0xffff, v4  }
0x5c: {  	[tilespmem:s14+$0x6040] =	vst.add.f32.msk $0xffff, v5  }
0x5d: {  	s16 =	sadd.s32 $0x200, s16;
	[tilespmem:s14+$0x6050] =	vst.add.f32.msk $0xffff, v6  }
0x5e: {  	[tilespmem:s14+$0x6060] =	vst.add.f32.msk $0xffff, v0;
	s13 =	sadd.s32 s5, s13;
	s31 =	simm.s32 $0x0  }
0x5f: {  	[hbm4b:s13+s31] =	stream.linear.scatter [tilespmem:s9], [sflag:$0x1], $0x6000, $0x38;
	[tilespmem:$0xC000] =	vst v63  }
0x60: {  	_ =	swait.ge [sflag:s8], $0x6000  }
0x61: {  	s13 =	sadd.s32 $0x180000, s12;
	[sflag:s8] =	ssyncset.done $0x0  }
0x62: {  	s15 =	sadd.s32 s1, s13;
	[sflag:s8] =	ssyncadd.s32 $0xFFFFA000  }
0x63: {  	[tilespmem:s9], [sflag:$0x1] =	stream.linear.gather [hbm4b:s15+s31], $0x6000, $0x38;
	[tilespmem:$0xC000] =	vst v63  }
0x64: {  	_ =	swait.ge [sflag:s8], $0x6000  }
0x65: {  	[sflag:s8] =	ssyncset.done $0x0  }
0x66: {  	s14 =	simm.s32 $0x0;
	[sflag:s8] =	ssyncadd.s32 $0xFFFFA000  }
0x67: {  	v0 =	vld [tilespmem:s14+$0x70]  }
0x68: {  	v1 =	vld [tilespmem:s14+$0x0]  }
0x69: {  	v2 =	vld [tilespmem:s14+$0x10]  }
0x6a: {  	v3 =	vld [tilespmem:s14+$0x20]  }
0x6b: {  	v4 =	vld [tilespmem:s14+$0x30]  }
0x6c: {  	v5 =	vld [tilespmem:s14+$0x40]  }
0x6d: {  	v6 =	vld [tilespmem:s14+$0x50]  }
0x6e: {  	[tilespmem:s14+$0x6070] =	vst.add.f32.msk $0xffff, v0  }
0x6f: {  	v0 =	vld [tilespmem:s14+$0x60]  }
0x70: {  	[tilespmem:s14+$0x6000] =	vst.add.f32.msk $0xffff, v1  }
0x71: {  	[tilespmem:s14+$0x6010] =	vst.add.f32.msk $0xffff, v2  }
0x72: {  	[tilespmem:s14+$0x6020] =	vst.add.f32.msk $0xffff, v3  }
0x73: {  	[tilespmem:s14+$0x6030] =	vst.add.f32.msk $0xffff, v4  }
0x74: {  	[tilespmem:s14+$0x6040] =	vst.add.f32.msk $0xffff, v5  }
0x75: {  	s16 =	simm.s32 $0x200;
	s15 =	simm.s32 $0x0;
	[tilespmem:s14+$0x6050] =	vst.add.f32.msk $0xffff, v6  }
.LBB2_7:
0x76: {  	s15 =	sadd.s32 $0x8, s15;
	[tilespmem:s14+$0x6060] =	vst.add.f32.msk $0xffff, v0;
	s14 =	sshra.s32 s16, $0x2  }
0x77: {  	v0 =	vld [tilespmem:s14+$0x70];
	p0 =	slt.u32 s15, $0x5F8  }
0x78: {  	v1 =	vld [tilespmem:s14+$0x0]  }
0x79: {  	v2 =	vld [tilespmem:s14+$0x10]  }
0x7a: {  	v3 =	vld [tilespmem:s14+$0x20]  }
0x7b: {  	v4 =	vld [tilespmem:s14+$0x30]  }
0x7c: {  	[tilespmem:s14+$0x6070] =	vst.add.f32.msk $0xffff, v0  }
0x7d: {  	v5 =	vld [tilespmem:s14+$0x40]  }
0x7e: {  	v6 =	vld [tilespmem:s14+$0x50]  }
0x7f: {  	v0 =	vld [tilespmem:s14+$0x60]  }
0x80: {  	[tilespmem:s14+$0x6000] =	vst.add.f32.msk $0xffff, v1  }
.Ltmp2:
0x81: {  	[tilespmem:s14+$0x6010] =	vst.add.f32.msk $0xffff, v2;
	(pc) =	sbr.rel @p0 .LBB2_7-.Ltmp2, $4  }
0x82: {  	[tilespmem:s14+$0x6020] =	vst.add.f32.msk $0xffff, v3  }
0x83: {  	[tilespmem:s14+$0x6030] =	vst.add.f32.msk $0xffff, v4  }
0x84: {  	[tilespmem:s14+$0x6040] =	vst.add.f32.msk $0xffff, v5  }
0x85: {  	s16 =	sadd.s32 $0x200, s16;
	[tilespmem:s14+$0x6050] =	vst.add.f32.msk $0xffff, v6  }
0x86: {  	[tilespmem:s14+$0x6060] =	vst.add.f32.msk $0xffff, v0;
	s13 =	sadd.s32 s5, s13;
	s30 =	simm.s32 $0x0  }
0x87: {  	[hbm4b:s13+s30] =	stream.linear.scatter [tilespmem:s9], [sflag:$0x1], $0x6000, $0x38;
	[tilespmem:$0xC000] =	vst v63  }
0x88: {  	_ =	swait.ge [sflag:s8], $0x6000  }
0x89: {  	s12 =	sadd.s32 $0x240000, s12;
	[sflag:s8] =	ssyncset.done $0x0  }
0x8a: {  	s31 =	sadd.s32 s1, s12;
	[sflag:s8] =	ssyncadd.s32 $0xFFFFA000  }
0x8b: {  	[tilespmem:s9], [sflag:$0x1] =	stream.linear.gather [hbm4b:s31+s30], $0x6000, $0x38;
	[tilespmem:$0xC000] =	vst v63  }
0x8c: {  	_ =	swait.ge [sflag:s8], $0x6000  }
0x8d: {  	[sflag:s8] =	ssyncset.done $0x0  }
0x8e: {  	s13 =	simm.s32 $0x0;
	[sflag:s8] =	ssyncadd.s32 $0xFFFFA000  }
0x8f: {  	v0 =	vld [tilespmem:s13+$0x70]  }
0x90: {  	v1 =	vld [tilespmem:s13+$0x0]  }
0x91: {  	v2 =	vld [tilespmem:s13+$0x10]  }
0x92: {  	v3 =	vld [tilespmem:s13+$0x20]  }
0x93: {  	v4 =	vld [tilespmem:s13+$0x30]  }
0x94: {  	v5 =	vld [tilespmem:s13+$0x40]  }
0x95: {  	v6 =	vld [tilespmem:s13+$0x50]  }
0x96: {  	[tilespmem:s13+$0x6070] =	vst.add.f32.msk $0xffff, v0  }
0x97: {  	v0 =	vld [tilespmem:s13+$0x60]  }
0x98: {  	[tilespmem:s13+$0x6000] =	vst.add.f32.msk $0xffff, v1  }
0x99: {  	[tilespmem:s13+$0x6010] =	vst.add.f32.msk $0xffff, v2  }
0x9a: {  	[tilespmem:s13+$0x6020] =	vst.add.f32.msk $0xffff, v3  }
0x9b: {  	[tilespmem:s13+$0x6030] =	vst.add.f32.msk $0xffff, v4  }
0x9c: {  	[tilespmem:s13+$0x6040] =	vst.add.f32.msk $0xffff, v5  }
0x9d: {  	s14 =	simm.s32 $0x0;
	s15 =	simm.s32 $0x200;
	[tilespmem:s13+$0x6050] =	vst.add.f32.msk $0xffff, v6  }
.LBB2_9:
0x9e: {  	s14 =	sadd.s32 $0x8, s14;
	[tilespmem:s13+$0x6060] =	vst.add.f32.msk $0xffff, v0;
	s13 =	sshra.s32 s15, $0x2  }
0x9f: {  	v0 =	vld [tilespmem:s13+$0x70];
	p0 =	slt.u32 s14, $0x5F8  }
0xa0: {  	v1 =	vld [tilespmem:s13+$0x0]  }
0xa1: {  	v2 =	vld [tilespmem:s13+$0x10]  }
0xa2: {  	v3 =	vld [tilespmem:s13+$0x20]  }
0xa3: {  	v4 =	vld [tilespmem:s13+$0x30]  }
0xa4: {  	[tilespmem:s13+$0x6070] =	vst.add.f32.msk $0xffff, v0  }
0xa5: {  	v5 =	vld [tilespmem:s13+$0x40]  }
0xa6: {  	v6 =	vld [tilespmem:s13+$0x50]  }
0xa7: {  	v0 =	vld [tilespmem:s13+$0x60]  }
0xa8: {  	[tilespmem:s13+$0x6000] =	vst.add.f32.msk $0xffff, v1  }
.Ltmp3:
0xa9: {  	[tilespmem:s13+$0x6010] =	vst.add.f32.msk $0xffff, v2;
	(pc) =	sbr.rel @p0 .LBB2_9-.Ltmp3, $4  }
0xaa: {  	[tilespmem:s13+$0x6020] =	vst.add.f32.msk $0xffff, v3  }
0xab: {  	[tilespmem:s13+$0x6030] =	vst.add.f32.msk $0xffff, v4  }
0xac: {  	[tilespmem:s13+$0x6040] =	vst.add.f32.msk $0xffff, v5  }
0xad: {  	s15 =	sadd.s32 $0x200, s15;
	[tilespmem:s13+$0x6050] =	vst.add.f32.msk $0xffff, v6  }
0xae: {  	s11 =	sadd.s32 $0x1, s11  }
0xaf: {  	p0 =	sne.s32 s11, $0x8  }
.Ltmp4:
0xb0: {  	[tilespmem:s13+$0x6060] =	vst.add.f32.msk $0xffff, v0;
	s12 =	sadd.s32 s5, s12;
	(pc) =	sbr.rel @p0 .LBB2_2-.Ltmp4, $4  }
0xb1: {  	[hbm4b:s12+s2] =	stream.linear.scatter [tilespmem:s9], [sflag:$0x1], $0x6000, $0x38;
	[tilespmem:$0xC000] =	vst v63  }
0xb2: {  	_ =	swait.ge [sflag:s8], $0x6000  }
0xb3: {  	[sflag:s8] =	ssyncset.done $0x0  }
0xb4: {  	[sflag:s8] =	ssyncadd.s32 $0xFFFFA000  }
0xb5: {  	s10 =	sadd.s32 $0x1, s10  }
0xb6: {  	p0 =	sne.s32 s10, s7  }
.Ltmp5:
0xb7: {  	_ = 	snop;
	(pc) =	sbr.rel @p0 .LBB2_1-.Ltmp5, $1  }
0xb8: {  	_ =	sdelay $0x3  }
0xb9: {  	_ =	sfence.sel $0x180000  }
0xba: {  	[bflag:$0x0] =	sbarrier.arrive $0xFFFF  }
0xbb: {  	p0 =	sne.s32 s3, $0x0;
	_ =	strace $0x90000047  }
0xbc: {  	s0 =	sadd.s32 @!p0 $0x100000, s0;
	[bflag:$0x2] =	sbarrier.arrive $0xFFFF  }
0xbd: {  	[sflag:s0] =	ssyncadd.tile.s32 @!p0 $0x1;
	_ =	shalt  }
.Lfunc_end2:
_tile_overlayer_lowered:
.L_overlay_start_2:
0xbe: {  	(tag) =	ssettag $0x2  }
0xbf: {  	s0 =	rddreg [dreg:$0x0];
	s2 =	stileid.u32  }
0xc0: {  	s1 =	rddreg [dreg:$0x1];
	p0 =	sne.s32 s2, $0x0  }
0xc1: {  	s3 =	rddreg [dreg:$0x2];
	[bflag:$0x3] =	sbarrier.arrive $0xFFFF;
	s2 =	simm.s32 @!p0 $0x1C01  }
0xc2: {  	[timem:s3], [sflag:s2] =	dma.local @!p0 [hbm:s0], s1  }
0xc3: {  	s0 =	simm.s32 @!p0 $0x1  }
0xc4: {  	_ =	swait.ge @!p0 [sflag:s0], s1  }
0xc5: {  	s1 =	ssub.s32 @!p0 $0x0, s1;
	[sflag:s0] =	ssyncset.done @!p0 $0x0  }
0xc6: {  	[sflag:s0] =	ssyncadd.s32 @!p0 s1  }
0xc7: {  	[bflag:$0x3] =	sbarrier.arrive $0xFFFF  }
0xc8: {  	_ =	shalt  }

</sc_bundles>
